<compile_context>
chip_gen: v7x
topology: tpu7x:2x2x1
jax: 0.10.2.dev20260603
libtpu: 0.0.44.dev20260713+nightly
codegen_flags: <defaults>
</compile_context>

<pallas_src>
import functools

import jax
import jax.numpy as jnp
from jax import lax
from jax.experimental import pallas as pl
from jax.experimental.pallas import tpu as pltpu
from jax.experimental.pallas import tpu_sc as plsc

S, D, H, DH, DFF, E = 2048, 768, 12, 64, 3072, 8
EPS = 1e-12
TB = 256
BLK = 128
NBLK = 23
SP = (NBLK + 1) * BLK
NW = 32
RPW = S // NW

_PREC = jax.lax.Precision.DEFAULT


def _dot(a, b):
    return jax.lax.dot_general(a, b, (((1,), (0,)), ((), ())),
                               preferred_element_type=jnp.float32,
                               precision=_PREC)


def _ln(t, g, b):
    m = jnp.mean(t, axis=-1, keepdims=True)
    v = jnp.mean((t - m) ** 2, axis=-1, keepdims=True)
    return (t - m) / jnp.sqrt(v + EPS) * g + b


def _qkv_body(x_ref, wq_ref, wk_ref, wv_ref, bq_ref, bk_ref, bv_ref, o_ref):
    x = x_ref[...]
    o_ref[:, 0:D] = _dot(x, wq_ref[...]) + bq_ref[...]
    o_ref[:, D:2 * D] = _dot(x, wk_ref[...]) + bk_ref[...]
    o_ref[:, 2 * D:3 * D] = _dot(x, wv_ref[...]) + bv_ref[...]


QTB = 512


def _qkv_call(x, Wq, Wk, Wv, bq, bk, bv):
    wspec = pl.BlockSpec((D, D), lambda i: (0, 0))
    bspec = pl.BlockSpec((1, D), lambda i: (0, 0))
    return pl.pallas_call(
        _qkv_body,
        grid=(S // QTB,),
        in_specs=[pl.BlockSpec((QTB, D), lambda i: (i, 0)),
                  wspec, wspec, wspec, bspec, bspec, bspec],
        out_specs=pl.BlockSpec((QTB, 3 * D), lambda i: (i, 0)),
        out_shape=jax.ShapeDtypeStruct((S, 3 * D), jnp.float32),
    )(x, Wq, Wk, Wv, bq, bk, bv)


ACH = 1024
ATB = 1024


def _attn_body(q_ref, k_ref, v_ref, m_ref, o_ref):
    q2 = q_ref[...]
    msk = m_ref[...]
    for t in range(2):
        q = q2[:, t * DH:(t + 1) * DH]
        o = m = sm = None
        for c in range(S // ACH):
            kc = k_ref[pl.ds(c * ACH, ACH), t * DH:(t + 1) * DH]
            vc = v_ref[pl.ds(c * ACH, ACH), t * DH:(t + 1) * DH]
            s = jax.lax.dot_general(q, kc, (((1,), (1,)), ((), ())),
                                    preferred_element_type=jnp.float32,
                                    precision=_PREC)
            s = s * (1.0 / 8.0) + msk[:, c * ACH:(c + 1) * ACH]
            cmx = jnp.max(s, axis=-1, keepdims=True)
            if o is None:
                m = cmx
                e = jnp.exp(s - m)
                sm = jnp.sum(e, axis=-1, keepdims=True)
                o = _dot(e, vc)
            else:
                mn = jnp.maximum(m, cmx)
                corr = jnp.exp(m - mn)
                e = jnp.exp(s - mn)
                sm = sm * corr + jnp.sum(e, axis=-1, keepdims=True)
                o = o * corr + _dot(e, vc)
                m = mn
        o_ref[:, t * DH:(t + 1) * DH] = o / sm


def _attn_call(qkv, mask):
    return pl.pallas_call(
        _attn_body,
        grid=(H // 2, S // ATB),
        in_specs=[
            pl.BlockSpec((ATB, 2 * DH), lambda h, i: (i, h)),
            pl.BlockSpec((S, 2 * DH), lambda h, i: (0, 6 + h)),
            pl.BlockSpec((S, 2 * DH), lambda h, i: (0, 12 + h)),
            pl.BlockSpec((1, S), lambda h, i: (0, 0)),
        ],
        out_specs=pl.BlockSpec((ATB, 2 * DH), lambda h, i: (i, h)),
        out_shape=jax.ShapeDtypeStruct((S, D), jnp.float32),
    )(qkv, qkv, qkv, mask)


NB = S // TB


def _route_body(ctx_ref, h_ref, wo_ref, bo_ref, g_ref, b_ref, wr_ref,
                br_ref, ao_ref, rs_ref, idx_ref, be_ref, bs_ref, acc_ref,
                rl_s, eid_s):
    w = pl.program_id(0)

    @pl.when(w == 0)
    def _():
        acc_ref[...] = jnp.zeros_like(acc_ref)

    @pl.when(w < NB)
    def _():
        t = _dot(ctx_ref[...], wo_ref[...]) + bo_ref[...] + h_ref[...]
        ao = _ln(t, g_ref[...], b_ref[...])
        ao_ref[...] = ao
        lg = _dot(ao, wr_ref[...]) + br_ref[...]
        lmx = jnp.max(lg, axis=-1, keepdims=True)
        p = jnp.exp(lg - lmx)
        rs = p / jnp.sum(p, axis=-1, keepdims=True)
        rs_ref[...] = rs
        mx = jnp.max(rs, axis=-1, keepdims=True)
        cols = lax.broadcasted_iota(jnp.int32, (TB, E), 1)
        eid = jnp.min(jnp.where(rs >= mx, cols, E), axis=-1)
        onehot = (cols == eid[:, None]).astype(jnp.float32)
        tri = (lax.broadcasted_iota(jnp.int32, (TB, TB), 0)
               > lax.broadcasted_iota(jnp.int32, (TB, TB), 1)
               ).astype(jnp.float32)
        prefix = _dot(tri, onehot)
        base = acc_ref[...]
        rl = jnp.sum(onehot * (prefix + base), axis=-1).astype(jnp.int32)
        rl_s[pl.ds(w, 1), :] = rl.reshape(1, TB)
        eid_s[pl.ds(w, 1), :] = eid.astype(jnp.int32).reshape(1, TB)
        acc_ref[...] = base + jnp.sum(onehot, axis=0, keepdims=True)

    @pl.when(w >= NB)
    def _():
        b = w - NB
        cv = acc_ref[...].astype(jnp.int32)
        nb = lax.shift_right_logical(cv + (BLK - 1), 7)
        nbf = nb.astype(jnp.float32)
        rows = lax.broadcasted_iota(jnp.int32, (E, E), 0)
        colsE = lax.broadcasted_iota(jnp.int32, (E, E), 1)
        upper = (rows <= colsE).astype(jnp.float32)
        cumnb = _dot(nbf, upper)
        aoff = ((cumnb - nbf) * float(BLK)).astype(jnp.int32)

        rl = rl_s[pl.ds(b, 1), :].reshape(TB, 1)
        eid = eid_s[pl.ds(b, 1), :].reshape(TB, 1)
        ecols = lax.broadcasted_iota(jnp.int32, (TB, E), 1)
        onehot = (ecols == eid).astype(jnp.int32)
        idx = rl + jnp.sum(onehot * aoff, axis=-1, keepdims=True)
        idx_ref[...] = idx.reshape(1, 1, TB)

        @pl.when(w == 2 * NB - 1)
        def _():
            wv = lax.broadcasted_iota(jnp.int32, (NW, E), 0)
            cb = jnp.broadcast_to(cumnb.astype(jnp.int32), (NW, E))
            accb = jnp.sum((wv >= cb).astype(jnp.int32), axis=-1,
                           keepdims=True)
            wcol = lax.broadcasted_iota(jnp.int32, (NW, 1), 0)
            be_ref[...] = jnp.minimum(accb, E - 1).reshape(1, 1, NW)
            bs_ref[...] = jnp.where(accb < E, wcol, NBLK).reshape(1, 1, NW)


def _route_call(ctx, x, Wo, bo, g1, b1, Wr, br):
    blk = lambda i: (jnp.minimum(i, NB - 1), 0)
    cons2 = lambda shp: pl.BlockSpec(shp, lambda i: (0, 0))
    return pl.pallas_call(
        _route_body,
        grid=(2 * NB,),
        in_specs=[
            pl.BlockSpec((TB, D), blk),
            pl.BlockSpec((TB, D), blk),
            cons2((D, D)),
            cons2((1, D)),
            cons2((1, D)),
            cons2((1, D)),
            cons2((D, E)),
            cons2((1, E)),
        ],
        out_specs=[
            pl.BlockSpec((TB, D), blk),
            pl.BlockSpec((TB, E), blk),
            pl.BlockSpec((1, 1, TB), lambda i: (jnp.maximum(i - NB, 0), 0,
                                                0)),
            pl.BlockSpec((1, 1, NW), lambda i: (0, 0, 0)),
            pl.BlockSpec((1, 1, NW), lambda i: (0, 0, 0)),
        ],
        out_shape=[
            jax.ShapeDtypeStruct((S, D), jnp.float32),
            jax.ShapeDtypeStruct((S, E), jnp.float32),
            jax.ShapeDtypeStruct((NB, 1, TB), jnp.int32),
            jax.ShapeDtypeStruct((1, 1, NW), jnp.int32),
            jax.ShapeDtypeStruct((1, 1, NW), jnp.int32),
        ],
        scratch_shapes=[
            pltpu.VMEM((1, E), jnp.float32),
            pltpu.VMEM((NB, TB), jnp.int32),
            pltpu.VMEM((NB, TB), jnp.int32),
        ],
    )(ctx, x, Wo, bo, g1, b1, Wr, br)


def _disp_body(ao_hbm, idx_hbm, xs_hbm, idx_v, rows_v, sem):
    wid = lax.axis_index("s") * 2 + lax.axis_index("c")
    base = wid * RPW
    pltpu.sync_copy(idx_hbm.at[pl.ds(base, RPW)], idx_v)
    pltpu.sync_copy(ao_hbm.at[pl.ds(base, RPW)], rows_v)
    pltpu.async_copy(rows_v, xs_hbm.at[idx_v], sem).wait()


@functools.lru_cache(maxsize=None)
def _build_dispatch_sc():
    return pl.kernel(
        _disp_body,
        out_type=jax.ShapeDtypeStruct((SP, D), jnp.float32),
        mesh=plsc.VectorSubcoreMesh(core_axis_name="c", subcore_axis_name="s"),
        scratch_types=[
            pltpu.VMEM((RPW,), jnp.int32),
            pltpu.VMEM((RPW, D), jnp.float32),
            pltpu.SemaphoreType.DMA,
        ],
    )


def _dispatch_sc(ao, idx):
    return _build_dispatch_sc()(ao, idx)


def _ffn_body(be_ref, bs_ref, x_ref, wi_ref, bi_ref, wo_ref, bo_ref, g_ref,
              b_ref, o_ref):
    w = pl.program_id(0)

    @pl.when(bs_ref[w] != NBLK)
    def _():
        x = x_ref[...]
        h1 = _dot(x, wi_ref[0]) + bi_ref[0]
        h1 = jax.nn.gelu(h1)
        y = _dot(h1, wo_ref[...]) + bo_ref[...] + x
        o_ref[...] = _ln(y, g_ref[...], b_ref[...])


def _ffn_call(be, bs, xs, Wi, bi, Wout, bout, g2, b2):
    grid_spec = pltpu.PrefetchScalarGridSpec(
        num_scalar_prefetch=2,
        grid=(NBLK,),
        in_specs=[
            pl.BlockSpec((BLK, D), lambda w, be, bs: (bs[w], 0)),
            pl.BlockSpec((1, D, DFF), lambda w, be, bs: (be[w], 0, 0)),
            pl.BlockSpec((1, 1, DFF), lambda w, be, bs: (be[w], 0, 0)),
            pl.BlockSpec((DFF, D), lambda w, be, bs: (0, 0)),
            pl.BlockSpec((1, D), lambda w, be, bs: (0, 0)),
            pl.BlockSpec((1, D), lambda w, be, bs: (0, 0)),
            pl.BlockSpec((1, D), lambda w, be, bs: (0, 0)),
        ],
        out_specs=pl.BlockSpec((BLK, D), lambda w, be, bs: (bs[w], 0)),
    )
    return pl.pallas_call(
        _ffn_body,
        grid_spec=grid_spec,
        out_shape=jax.ShapeDtypeStruct((SP, D), jnp.float32),
    )(be, bs, xs, Wi, bi, Wout, bout, g2, b2)


def _comb_body(os_hbm, rank_hbm, y_hbm, idx_v, rows_v, sem):
    wid = lax.axis_index("s") * 2 + lax.axis_index("c")
    base = wid * RPW
    pltpu.sync_copy(rank_hbm.at[pl.ds(base, RPW)], idx_v)
    pltpu.async_copy(os_hbm.at[idx_v], rows_v, sem).wait()
    pltpu.sync_copy(rows_v, y_hbm.at[pl.ds(base, RPW)])


@functools.lru_cache(maxsize=None)
def _build_combine_sc():
    return pl.kernel(
        _comb_body,
        out_type=jax.ShapeDtypeStruct((S, D), jnp.float32),
        mesh=plsc.VectorSubcoreMesh(core_axis_name="c", subcore_axis_name="s"),
        scratch_types=[
            pltpu.VMEM((RPW,), jnp.int32),
            pltpu.VMEM((RPW, D), jnp.float32),
            pltpu.SemaphoreType.DMA,
        ],
    )


def _combine_sc(os_, rank):
    return _build_combine_sc()(os_, rank)


def kernel(hidden_states, attention_mask, Wq, bq, Wk, bk, Wv, bv, Wo, bo,
           ln1_g, ln1_b, Wr, br, Wi, bi, Wout, bout, ln2_g, ln2_b):
    x = hidden_states.reshape(S, D)
    mask = attention_mask.reshape(1, S)

    qkv = _qkv_call(x, Wq, Wk, Wv, bq.reshape(1, D), bk.reshape(1, D),
                    bv.reshape(1, D))
    ctx = _attn_call(qkv, mask)
    ao, rs, idx, be, bs = _route_call(ctx, x, Wo, bo.reshape(1, D),
                                      ln1_g.reshape(1, D),
                                      ln1_b.reshape(1, D), Wr,
                                      br.reshape(1, E))
    idx = idx.reshape(S)
    xs = _dispatch_sc(ao, idx)
    os_ = _ffn_call(be.reshape(NW), bs.reshape(NW), xs, Wi,
                    bi.reshape(E, 1, DFF), Wout, bout.reshape(1, D),
                    ln2_g.reshape(1, D), ln2_b.reshape(1, D))
    y = _combine_sc(os_, idx)
    return y.reshape(1, S, D), rs.reshape(1, S, E)

# --- scband reference (transcript-rebuilt; emitter-appended) ---
"""Pipeline reference for scband-bert-cls-moe-65395172049423 (READ-ONLY COPY).

The authoritative reference and input builder live on the scoring server;
editing this copy changes nothing except your own understanding.
"""

import jax, jax.numpy as jnp
import numpy as np

B, S, D, H, DH, DFF, E = 1, 2048, 768, 12, 64, 3072, 8
EPS = 1e-12

def _ln(x, g, b):
    m = x.mean(-1, keepdims=True)
    v = ((x - m) ** 2).mean(-1, keepdims=True)
    return (x - m) / jnp.sqrt(v + EPS) * g + b

def setup_inputs(seed: int = 0) -> dict:
    key = jax.random.key(seed)
    ks = jax.random.split(key, 24)
    s = 0.02
    inp = {}
    inp['hidden_states'] = jax.random.normal(ks[0], (B, S, D), jnp.float32)
    inp['attention_mask'] = jnp.zeros((B, 1, 1, S), jnp.float32)
    inp['Wq'] = jax.random.normal(ks[1], (D, D), jnp.float32) * s
    inp['bq'] = jnp.zeros((D,), jnp.float32)
    inp['Wk'] = jax.random.normal(ks[2], (D, D), jnp.float32) * s
    inp['bk'] = jnp.zeros((D,), jnp.float32)
    inp['Wv'] = jax.random.normal(ks[3], (D, D), jnp.float32) * s
    inp['bv'] = jnp.zeros((D,), jnp.float32)
    inp['Wo'] = jax.random.normal(ks[4], (D, D), jnp.float32) * s
    inp['bo'] = jnp.zeros((D,), jnp.float32)
    inp['ln1_g'] = jnp.ones((D,), jnp.float32)
    inp['ln1_b'] = jnp.zeros((D,), jnp.float32)
    inp['Wr'] = jax.random.normal(ks[5], (D, E), jnp.float32) * s
    inp['br'] = jnp.zeros((E,), jnp.float32)
    inp['Wi'] = jax.random.normal(ks[6], (E, D, DFF), jnp.float32) * s
    inp['bi'] = jnp.zeros((E, DFF), jnp.float32)
    inp['Wout'] = jax.random.normal(ks[7], (DFF, D), jnp.float32) * s
    inp['bout'] = jnp.zeros((D,), jnp.float32)
    inp['ln2_g'] = jnp.ones((D,), jnp.float32)
    inp['ln2_b'] = jnp.zeros((D,), jnp.float32)
    return inp

def reference(hidden_states, attention_mask, Wq, bq, Wk, bk, Wv, bv, Wo, bo, ln1_g, ln1_b, Wr, br, Wi, bi, Wout, bout, ln2_g, ln2_b):
    h = hidden_states
    def split_heads(x):
        return x.reshape(B, S, H, DH).transpose(0, 2, 1, 3)
    q = split_heads(h @ Wq + bq)
    k = split_heads(h @ Wk + bk)
    v = split_heads(h @ Wv + bv)
    scores = jnp.einsum('bhqd,bhkd->bhqk', q, k) / jnp.sqrt(jnp.float32(DH)) + attention_mask
    probs = jax.nn.softmax(scores, axis=-1)
    ctx = jnp.einsum('bhqk,bhkd->bhqd', probs, v).transpose(0, 2, 1, 3).reshape(B, S, D)
    # BertSelfOutput: dense + residual + layernorm
    attention_output = _ln(ctx @ Wo + bo + h, ln1_g, ln1_b)
    # router: softmax scores, argmax expert assignment (top-1 routing)
    routing_scores = jax.nn.softmax(attention_output @ Wr + br, axis=-1)
    routing_expert = jnp.argmax(routing_scores, axis=-1)
    flat_attention_output = attention_output.reshape(-1, D)
    flat_routing_expert = routing_expert.reshape(-1)
    flat_intermediate_output = jnp.zeros((B * S, DFF), jnp.float32)
    for i in range(E):
        sel = (flat_routing_expert == i)[:, None]
        expert_out = jax.nn.gelu(flat_attention_output @ Wi[i] + bi[i])
        flat_intermediate_output = jnp.where(sel, expert_out, flat_intermediate_output)
    intermediate_output = flat_intermediate_output.reshape(B, S, DFF)
    # BertOutput: dense + residual + layernorm
    layer_output = _ln(intermediate_output @ Wout + bout + attention_output, ln2_g, ln2_b)
    return layer_output, routing_scores

if __name__ == "__main__":
    import jax
    _d = setup_inputs()
    print(jax.jit(kernel)(*tuple(_d.values())))

</pallas_src>

<mosaic_0001>
#map = affine_map<(d0, d1) -> (0, 0)>
#map1 = affine_map<(d0, d1) -> (0)>
module attributes {stable_mosaic.version = 14 : i64} {
  func.func @_comb_body(%arg0: i32, %arg1: i32, %arg2: memref<3072x768xf32, #tpu.memory_space<hbm>>, %arg3: memref<2048xi32, #tpu.memory_space<hbm>>, %arg4: memref<2048x768xf32, #tpu.memory_space<hbm>>, %arg5: memref<64xi32, #tpu.memory_space<vmem>>, %arg6: memref<64x768xf32, #tpu.memory_space<vmem>>, %arg7: memref<!tpu.dma_semaphore, #tpu.memory_space<semaphore_mem>>) attributes {dimension_semantics = [#tpu.dimension_semantics<core_parallel>, #tpu.dimension_semantics<subcore_parallel>], iteration_bounds = array<i64: 2, 16>, scalar_prefetch = 0 : i64, scratch_operands = 3 : i64, tpu.core_type = #tpu.core_type<sc_vector_subcore>, window_params = [{transform_indices = #map}, {transform_indices = #map1}, {transform_indices = #map}]} {
    %mul3A = arith.constant 2 : i32
    %mul3A_0 = arith.muli %arg1, %mul3A : i32
    %add3A = arith.addi %mul3A_0, %arg0 : i32
    %mul3A_1 = arith.constant 64 : i32
    %mul3A_2 = arith.muli %add3A, %mul3A_1 : i32
    "tpu.region"() ({
      %run_scoped3A = tpu.sem_alloc : memref<!tpu.dma_semaphore, #tpu.memory_space<semaphore_mem>>
      %dma_start3A_7 = tpu.memref_slice %arg3[%mul3A_2] : memref<2048xi32, #tpu.memory_space<hbm>> -> memref<64xi32, #tpu.memory_space<hbm>>
      %dma_start3A_8 = tpu.memref_slice %arg3[%mul3A_2] : memref<2048xi32, #tpu.memory_space<hbm>> -> memref<64xi32, #tpu.memory_space<hbm>>
      tpu.enqueue_dma source(%dma_start3A_8 : memref<64xi32, #tpu.memory_space<hbm>>) target(%arg5 : memref<64xi32, #tpu.memory_space<vmem>>) target_semaphore(%run_scoped3A : memref<!tpu.dma_semaphore, #tpu.memory_space<semaphore_mem>>)
      %dma_wait3A_9 = tpu.memref_slice %arg3[%mul3A_2] : memref<2048xi32, #tpu.memory_space<hbm>> -> memref<64xi32, #tpu.memory_space<hbm>>
      %dma_wait3A_10 = tpu.memref_slice %arg3[%mul3A_2] : memref<2048xi32, #tpu.memory_space<hbm>> -> memref<64xi32, #tpu.memory_space<hbm>>
      tpu.wait_dma2 semaphore(%run_scoped3A : memref<!tpu.dma_semaphore, #tpu.memory_space<semaphore_mem>>) src(%dma_wait3A_10 : memref<64xi32, #tpu.memory_space<hbm>>) dst(%arg5 : memref<64xi32, #tpu.memory_space<vmem>>)
      tpu.yield
    }) : () -> ()
    %dma_start3A = arith.constant 0 : i32
    %dma_start3A_3 = arith.constant 0 : i32
    %dma_start3A_4 = tpu.memref_slice %arg2[%dma_start3A, %dma_start3A_3] : memref<3072x768xf32, #tpu.memory_space<hbm>> -> memref<3072x768xf32, #tpu.memory_space<hbm>>
    tpu.enqueue_indirect_dma source(%dma_start3A_4 : memref<3072x768xf32, #tpu.memory_space<hbm>>) target(%arg6 : memref<64x768xf32, #tpu.memory_space<vmem>>) offsets(%arg5 : memref<64xi32, #tpu.memory_space<vmem>>) semaphore(%arg7 : memref<!tpu.dma_semaphore, #tpu.memory_space<semaphore_mem>>)
    %dma_wait3A = arith.constant 0 : i32
    %dma_wait3A_5 = arith.constant 0 : i32
    %dma_wait3A_6 = tpu.memref_slice %arg2[%dma_wait3A, %dma_wait3A_5] : memref<3072x768xf32, #tpu.memory_space<hbm>> -> memref<3072x768xf32, #tpu.memory_space<hbm>>
    tpu.wait_indirect_dma semaphore(%arg7 : memref<!tpu.dma_semaphore, #tpu.memory_space<semaphore_mem>>) src(%dma_wait3A_6 : memref<3072x768xf32, #tpu.memory_space<hbm>>) dst(%arg6 : memref<64x768xf32, #tpu.memory_space<vmem>>)
    "tpu.region"() ({
      %run_scoped3A = tpu.sem_alloc : memref<!tpu.dma_semaphore, #tpu.memory_space<semaphore_mem>>
      %dma_start3A_7 = arith.constant 0 : i32
      %dma_start3A_8 = tpu.memref_slice %arg4[%mul3A_2, %dma_start3A_7] : memref<2048x768xf32, #tpu.memory_space<hbm>> -> memref<64x768xf32, #tpu.memory_space<hbm>>
      %dma_start3A_9 = arith.constant 0 : i32
      %dma_start3A_10 = tpu.memref_slice %arg4[%mul3A_2, %dma_start3A_9] : memref<2048x768xf32, #tpu.memory_space<hbm>> -> memref<64x768xf32, #tpu.memory_space<hbm>>
      tpu.enqueue_dma source(%arg6 : memref<64x768xf32, #tpu.memory_space<vmem>>) target(%dma_start3A_10 : memref<64x768xf32, #tpu.memory_space<hbm>>) target_semaphore(%run_scoped3A : memref<!tpu.dma_semaphore, #tpu.memory_space<semaphore_mem>>)
      %dma_wait3A_11 = arith.constant 0 : i32
      %dma_wait3A_12 = tpu.memref_slice %arg4[%mul3A_2, %dma_wait3A_11] : memref<2048x768xf32, #tpu.memory_space<hbm>> -> memref<64x768xf32, #tpu.memory_space<hbm>>
      %dma_wait3A_13 = arith.constant 0 : i32
      %dma_wait3A_14 = tpu.memref_slice %arg4[%mul3A_2, %dma_wait3A_13] : memref<2048x768xf32, #tpu.memory_space<hbm>> -> memref<64x768xf32, #tpu.memory_space<hbm>>
      tpu.wait_dma2 semaphore(%run_scoped3A : memref<!tpu.dma_semaphore, #tpu.memory_space<semaphore_mem>>) src(%arg6 : memref<64x768xf32, #tpu.memory_space<vmem>>) dst(%dma_wait3A_14 : memref<64x768xf32, #tpu.memory_space<hbm>>)
      tpu.yield
    }) : () -> ()
    return
  }
}

#map = affine_map<(d0, d1) -> (0, 0)>
#map1 = affine_map<(d0, d1) -> (0)>
module attributes {stable_mosaic.version = 14 : i64} {
  func.func @_disp_body(%arg0: i32, %arg1: i32, %arg2: memref<2048x768xf32, #tpu.memory_space<hbm>>, %arg3: memref<2048xi32, #tpu.memory_space<hbm>>, %arg4: memref<3072x768xf32, #tpu.memory_space<hbm>>, %arg5: memref<64xi32, #tpu.memory_space<vmem>>, %arg6: memref<64x768xf32, #tpu.memory_space<vmem>>, %arg7: memref<!tpu.dma_semaphore, #tpu.memory_space<semaphore_mem>>) attributes {dimension_semantics = [#tpu.dimension_semantics<core_parallel>, #tpu.dimension_semantics<subcore_parallel>], iteration_bounds = array<i64: 2, 16>, scalar_prefetch = 0 : i64, scratch_operands = 3 : i64, tpu.core_type = #tpu.core_type<sc_vector_subcore>, window_params = [{transform_indices = #map}, {transform_indices = #map1}, {transform_indices = #map}]} {
    %mul3A = arith.constant 2 : i32
    %mul3A_0 = arith.muli %arg1, %mul3A : i32
    %add3A = arith.addi %mul3A_0, %arg0 : i32
    %mul3A_1 = arith.constant 64 : i32
    %mul3A_2 = arith.muli %add3A, %mul3A_1 : i32
    "tpu.region"() ({
      %run_scoped3A = tpu.sem_alloc : memref<!tpu.dma_semaphore, #tpu.memory_space<semaphore_mem>>
      %dma_start3A_7 = tpu.memref_slice %arg3[%mul3A_2] : memref<2048xi32, #tpu.memory_space<hbm>> -> memref<64xi32, #tpu.memory_space<hbm>>
      %dma_start3A_8 = tpu.memref_slice %arg3[%mul3A_2] : memref<2048xi32, #tpu.memory_space<hbm>> -> memref<64xi32, #tpu.memory_space<hbm>>
      tpu.enqueue_dma source(%dma_start3A_8 : memref<64xi32, #tpu.memory_space<hbm>>) target(%arg5 : memref<64xi32, #tpu.memory_space<vmem>>) target_semaphore(%run_scoped3A : memref<!tpu.dma_semaphore, #tpu.memory_space<semaphore_mem>>)
      %dma_wait3A_9 = tpu.memref_slice %arg3[%mul3A_2] : memref<2048xi32, #tpu.memory_space<hbm>> -> memref<64xi32, #tpu.memory_space<hbm>>
      %dma_wait3A_10 = tpu.memref_slice %arg3[%mul3A_2] : memref<2048xi32, #tpu.memory_space<hbm>> -> memref<64xi32, #tpu.memory_space<hbm>>
      tpu.wait_dma2 semaphore(%run_scoped3A : memref<!tpu.dma_semaphore, #tpu.memory_space<semaphore_mem>>) src(%dma_wait3A_10 : memref<64xi32, #tpu.memory_space<hbm>>) dst(%arg5 : memref<64xi32, #tpu.memory_space<vmem>>)
      tpu.yield
    }) : () -> ()
    "tpu.region"() ({
      %run_scoped3A = tpu.sem_alloc : memref<!tpu.dma_semaphore, #tpu.memory_space<semaphore_mem>>
      %dma_start3A_7 = arith.constant 0 : i32
      %dma_start3A_8 = tpu.memref_slice %arg2[%mul3A_2, %dma_start3A_7] : memref<2048x768xf32, #tpu.memory_space<hbm>> -> memref<64x768xf32, #tpu.memory_space<hbm>>
      %dma_start3A_9 = arith.constant 0 : i32
      %dma_start3A_10 = tpu.memref_slice %arg2[%mul3A_2, %dma_start3A_9] : memref<2048x768xf32, #tpu.memory_space<hbm>> -> memref<64x768xf32, #tpu.memory_space<hbm>>
      tpu.enqueue_dma source(%dma_start3A_10 : memref<64x768xf32, #tpu.memory_space<hbm>>) target(%arg6 : memref<64x768xf32, #tpu.memory_space<vmem>>) target_semaphore(%run_scoped3A : memref<!tpu.dma_semaphore, #tpu.memory_space<semaphore_mem>>)
      %dma_wait3A_11 = arith.constant 0 : i32
      %dma_wait3A_12 = tpu.memref_slice %arg2[%mul3A_2, %dma_wait3A_11] : memref<2048x768xf32, #tpu.memory_space<hbm>> -> memref<64x768xf32, #tpu.memory_space<hbm>>
      %dma_wait3A_13 = arith.constant 0 : i32
      %dma_wait3A_14 = tpu.memref_slice %arg2[%mul3A_2, %dma_wait3A_13] : memref<2048x768xf32, #tpu.memory_space<hbm>> -> memref<64x768xf32, #tpu.memory_space<hbm>>
      tpu.wait_dma2 semaphore(%run_scoped3A : memref<!tpu.dma_semaphore, #tpu.memory_space<semaphore_mem>>) src(%dma_wait3A_14 : memref<64x768xf32, #tpu.memory_space<hbm>>) dst(%arg6 : memref<64x768xf32, #tpu.memory_space<vmem>>)
      tpu.yield
    }) : () -> ()
    %dma_start3A = arith.constant 0 : i32
    %dma_start3A_3 = arith.constant 0 : i32
    %dma_start3A_4 = tpu.memref_slice %arg4[%dma_start3A, %dma_start3A_3] : memref<3072x768xf32, #tpu.memory_space<hbm>> -> memref<3072x768xf32, #tpu.memory_space<hbm>>
    tpu.enqueue_indirect_dma source(%arg6 : memref<64x768xf32, #tpu.memory_space<vmem>>) target(%dma_start3A_4 : memref<3072x768xf32, #tpu.memory_space<hbm>>) offsets(%arg5 : memref<64xi32, #tpu.memory_space<vmem>>) semaphore(%arg7 : memref<!tpu.dma_semaphore, #tpu.memory_space<semaphore_mem>>)
    %dma_wait3A = arith.constant 0 : i32
    %dma_wait3A_5 = arith.constant 0 : i32
    %dma_wait3A_6 = tpu.memref_slice %arg4[%dma_wait3A, %dma_wait3A_5] : memref<3072x768xf32, #tpu.memory_space<hbm>> -> memref<3072x768xf32, #tpu.memory_space<hbm>>
    tpu.wait_indirect_dma semaphore(%arg7 : memref<!tpu.dma_semaphore, #tpu.memory_space<semaphore_mem>>) src(%arg6 : memref<64x768xf32, #tpu.memory_space<vmem>>) dst(%dma_wait3A_6 : memref<3072x768xf32, #tpu.memory_space<hbm>>)
    return
  }
}

module attributes {stable_mosaic.version = 14 : i64} {
  func.func @_attn_body(%arg0: i32, %arg1: i32, %arg2: memref<1024x128xf32, #tpu.memory_space<vmem>>, %arg3: memref<2048x128xf32, #tpu.memory_space<vmem>>, %arg4: memref<2048x128xf32, #tpu.memory_space<vmem>>, %arg5: memref<1x2048xf32, #tpu.memory_space<vmem>>, %arg6: memref<1024x128xf32, #tpu.memory_space<vmem>>) attributes {dimension_semantics = [#tpu.dimension_semantics<arbitrary>, #tpu.dimension_semantics<arbitrary>], iteration_bounds = array<i64: 6, 2>, scalar_prefetch = 0 : i64, scratch_operands = 0 : i64, tpu.core_type = #tpu.core_type<tc>, window_params = [{transform_indices = @transform_0, window_bounds = array<i64: 1024, 128>}, {transform_indices = @transform_1, window_bounds = array<i64: 2048, 128>}, {transform_indices = @transform_2, window_bounds = array<i64: 2048, 128>}, {pipeline_mode = #tpu.pipeline_mode<synchronous>, transform_indices = @transform_3, window_bounds = array<i64: 1, 2048>}, {transform_indices = @transform_4, window_bounds = array<i64: 1024, 128>}]} {
    %get3A = arith.constant 0 : index
    %get3A_0 = arith.constant 0 : index
    %get3A_1 = vector.load %arg2[%get3A, %get3A_0] : memref<1024x128xf32, #tpu.memory_space<vmem>>, vector<1024x128xf32>
    %get3A_2 = arith.constant 0 : index
    %get3A_3 = arith.constant 0 : index
    %get3A_4 = vector.load %arg5[%get3A_2, %get3A_3] : memref<1x2048xf32, #tpu.memory_space<vmem>>, vector<1x2048xf32>
    %slice3A = vector.extract_strided_slice %get3A_1 {offsets = [0, 0], sizes = [1024, 64], strides = [1, 1]} : vector<1024x128xf32> to vector<1024x64xf32>
    %get3A_5 = arith.constant 0 : index
    %get3A_6 = arith.constant 0 : index
    %get3A_7 = vector.load %arg3[%get3A_5, %get3A_6] : memref<2048x128xf32, #tpu.memory_space<vmem>>, vector<1024x64xf32>
    %get3A_8 = arith.constant 0 : index
    %get3A_9 = arith.constant 0 : index
    %get3A_10 = vector.load %arg4[%get3A_8, %get3A_9] : memref<2048x128xf32, #tpu.memory_space<vmem>>, vector<1024x64xf32>
    %dot_general3A = arith.constant dense<0.000000e+00> : vector<1024x1024xf32>
    %dot_general3A_11 = tpu.matmul %slice3A, %get3A_7, %dot_general3A {dimension_numbers = #tpu.dot_dimension_numbers<[1], [1], [0], [0], [0, 0, 1, 0], [], []>, transpose_lhs_hint = false} : vector<1024x64xf32>, vector<1024x64xf32>, vector<1024x1024xf32> -> vector<1024x1024xf32>
    %mul3A = arith.constant 1.250000e-01 : f32
    %mul3A_12 = vector.broadcast %mul3A : f32 to vector<1024x1024xf32>
    %mul3A_13 = arith.mulf %dot_general3A_11, %mul3A_12 : vector<1024x1024xf32>
    %slice3A_14 = vector.extract_strided_slice %get3A_4 {offsets = [0, 0], sizes = [1, 1024], strides = [1, 1]} : vector<1x2048xf32> to vector<1x1024xf32>
    %add3A = vector.broadcast %slice3A_14 : vector<1x1024xf32> to vector<1024x1024xf32>
    %add3A_15 = arith.addf %mul3A_13, %add3A : vector<1024x1024xf32>
    %reduce_max3A = arith.constant dense<0xFF800000> : vector<1024xf32>
    %reduce_max3A_16 = vector.multi_reduction <maximumf>, %add3A_15, %reduce_max3A [1] : vector<1024x1024xf32> to vector<1024xf32>
    %broadcast_in_dim3A = vector.shape_cast %reduce_max3A_16 : vector<1024xf32> to vector<1024x1xf32>
    %sub3A = vector.broadcast %broadcast_in_dim3A : vector<1024x1xf32> to vector<1024x1024xf32>
    %sub3A_17 = arith.subf %add3A_15, %sub3A : vector<1024x1024xf32>
    %exp3A = math.exp %sub3A_17 : vector<1024x1024xf32>
    %reduce_sum3A = arith.constant dense<0.000000e+00> : vector<1024xf32>
    %reduce_sum3A_18 = vector.multi_reduction <add>, %exp3A, %reduce_sum3A [1] : vector<1024x1024xf32> to vector<1024xf32>
    %broadcast_in_dim3A_19 = vector.shape_cast %reduce_sum3A_18 : vector<1024xf32> to vector<1024x1xf32>
    %dot_general3A_20 = arith.constant dense<0.000000e+00> : vector<1024x64xf32>
    %dot_general3A_21 = tpu.matmul %exp3A, %get3A_10, %dot_general3A_20 {dimension_numbers = #tpu.dot_dimension_numbers<[1], [0], [0], [1], [0, 0, 1, 1], [], []>, transpose_lhs_hint = false} : vector<1024x1024xf32>, vector<1024x64xf32>, vector<1024x64xf32> -> vector<1024x64xf32>
    %get3A_22 = arith.constant 1024 : index
    %get3A_23 = arith.constant 0 : index
    %get3A_24 = vector.load %arg3[%get3A_22, %get3A_23] : memref<2048x128xf32, #tpu.memory_space<vmem>>, vector<1024x64xf32>
    %get3A_25 = arith.constant 1024 : index
    %get3A_26 = arith.constant 0 : index
    %get3A_27 = vector.load %arg4[%get3A_25, %get3A_26] : memref<2048x128xf32, #tpu.memory_space<vmem>>, vector<1024x64xf32>
    %dot_general3A_28 = arith.constant dense<0.000000e+00> : vector<1024x1024xf32>
    %dot_general3A_29 = tpu.matmul %slice3A, %get3A_24, %dot_general3A_28 {dimension_numbers = #tpu.dot_dimension_numbers<[1], [1], [0], [0], [0, 0, 1, 0], [], []>, transpose_lhs_hint = false} : vector<1024x64xf32>, vector<1024x64xf32>, vector<1024x1024xf32> -> vector<1024x1024xf32>
    %mul3A_30 = arith.constant 1.250000e-01 : f32
    %mul3A_31 = vector.broadcast %mul3A_30 : f32 to vector<1024x1024xf32>
    %mul3A_32 = arith.mulf %dot_general3A_29, %mul3A_31 : vector<1024x1024xf32>
    %slice3A_33 = vector.extract_strided_slice %get3A_4 {offsets = [0, 1024], sizes = [1, 1024], strides = [1, 1]} : vector<1x2048xf32> to vector<1x1024xf32>
    %add3A_34 = vector.broadcast %slice3A_33 : vector<1x1024xf32> to vector<1024x1024xf32>
    %add3A_35 = arith.addf %mul3A_32, %add3A_34 : vector<1024x1024xf32>
    %reduce_max3A_36 = arith.constant dense<0xFF800000> : vector<1024xf32>
    %reduce_max3A_37 = vector.multi_reduction <maximumf>, %add3A_35, %reduce_max3A_36 [1] : vector<1024x1024xf32> to vector<1024xf32>
    %broadcast_in_dim3A_38 = vector.shape_cast %reduce_max3A_37 : vector<1024xf32> to vector<1024x1xf32>
    %max3A = arith.maximumf %broadcast_in_dim3A, %broadcast_in_dim3A_38 : vector<1024x1xf32>
    %sub3A_39 = arith.subf %broadcast_in_dim3A, %max3A : vector<1024x1xf32>
    %exp3A_40 = math.exp %sub3A_39 : vector<1024x1xf32>
    %sub3A_41 = vector.broadcast %max3A : vector<1024x1xf32> to vector<1024x1024xf32>
    %sub3A_42 = arith.subf %add3A_35, %sub3A_41 : vector<1024x1024xf32>
    %exp3A_43 = math.exp %sub3A_42 : vector<1024x1024xf32>
    %mul3A_44 = arith.mulf %broadcast_in_dim3A_19, %exp3A_40 : vector<1024x1xf32>
    %reduce_sum3A_45 = arith.constant dense<0.000000e+00> : vector<1024xf32>
    %reduce_sum3A_46 = vector.multi_reduction <add>, %exp3A_43, %reduce_sum3A_45 [1] : vector<1024x1024xf32> to vector<1024xf32>
    %broadcast_in_dim3A_47 = vector.shape_cast %reduce_sum3A_46 : vector<1024xf32> to vector<1024x1xf32>
    %add3A_48 = arith.addf %mul3A_44, %broadcast_in_dim3A_47 : vector<1024x1xf32>
    %mul3A_49 = vector.broadcast %exp3A_40 : vector<1024x1xf32> to vector<1024x64xf32>
    %mul3A_50 = arith.mulf %dot_general3A_21, %mul3A_49 : vector<1024x64xf32>
    %dot_general3A_51 = arith.constant dense<0.000000e+00> : vector<1024x64xf32>
    %dot_general3A_52 = tpu.matmul %exp3A_43, %get3A_27, %dot_general3A_51 {dimension_numbers = #tpu.dot_dimension_numbers<[1], [0], [0], [1], [0, 0, 1, 1], [], []>, transpose_lhs_hint = false} : vector<1024x1024xf32>, vector<1024x64xf32>, vector<1024x64xf32> -> vector<1024x64xf32>
    %add3A_53 = arith.addf %mul3A_50, %dot_general3A_52 : vector<1024x64xf32>
    %div3A = vector.broadcast %add3A_48 : vector<1024x1xf32> to vector<1024x64xf32>
    %div3A_54 = arith.divf %add3A_53, %div3A : vector<1024x64xf32>
    %swap3A = arith.constant 0 : index
    %swap3A_55 = arith.constant 0 : index
    %swap3A_56 = vector.load %arg6[%swap3A, %swap3A_55] : memref<1024x128xf32, #tpu.memory_space<vmem>>, vector<1024x64xf32>
    tpu.vector_store %arg6[%swap3A, %swap3A_55], %div3A_54 {strides = array<i32>} : memref<1024x128xf32, #tpu.memory_space<vmem>>, vector<1024x64xf32>,
    %slice3A_57 = vector.extract_strided_slice %get3A_1 {offsets = [0, 64], sizes = [1024, 64], strides = [1, 1]} : vector<1024x128xf32> to vector<1024x64xf32>
    %get3A_58 = arith.constant 0 : index
    %get3A_59 = arith.constant 64 : index
    %get3A_60 = vector.load %arg3[%get3A_58, %get3A_59] : memref<2048x128xf32, #tpu.memory_space<vmem>>, vector<1024x64xf32>
    %get3A_61 = arith.constant 0 : index
    %get3A_62 = arith.constant 64 : index
    %get3A_63 = vector.load %arg4[%get3A_61, %get3A_62] : memref<2048x128xf32, #tpu.memory_space<vmem>>, vector<1024x64xf32>
    %dot_general3A_64 = arith.constant dense<0.000000e+00> : vector<1024x1024xf32>
    %dot_general3A_65 = tpu.matmul %slice3A_57, %get3A_60, %dot_general3A_64 {dimension_numbers = #tpu.dot_dimension_numbers<[1], [1], [0], [0], [0, 0, 1, 0], [], []>, transpose_lhs_hint = false} : vector<1024x64xf32>, vector<1024x64xf32>, vector<1024x1024xf32> -> vector<1024x1024xf32>
    %mul3A_66 = arith.constant 1.250000e-01 : f32
    %mul3A_67 = vector.broadcast %mul3A_66 : f32 to vector<1024x1024xf32>
    %mul3A_68 = arith.mulf %dot_general3A_65, %mul3A_67 : vector<1024x1024xf32>
    %slice3A_69 = vector.extract_strided_slice %get3A_4 {offsets = [0, 0], sizes = [1, 1024], strides = [1, 1]} : vector<1x2048xf32> to vector<1x1024xf32>
    %add3A_70 = vector.broadcast %slice3A_69 : vector<1x1024xf32> to vector<1024x1024xf32>
    %add3A_71 = arith.addf %mul3A_68, %add3A_70 : vector<1024x1024xf32>
    %reduce_max3A_72 = arith.constant dense<0xFF800000> : vector<1024xf32>
    %reduce_max3A_73 = vector.multi_reduction <maximumf>, %add3A_71, %reduce_max3A_72 [1] : vector<1024x1024xf32> to vector<1024xf32>
    %broadcast_in_dim3A_74 = vector.shape_cast %reduce_max3A_73 : vector<1024xf32> to vector<1024x1xf32>
    %sub3A_75 = vector.broadcast %broadcast_in_dim3A_74 : vector<1024x1xf32> to vector<1024x1024xf32>
    %sub3A_76 = arith.subf %add3A_71, %sub3A_75 : vector<1024x1024xf32>
    %exp3A_77 = math.exp %sub3A_76 : vector<1024x1024xf32>
    %reduce_sum3A_78 = arith.constant dense<0.000000e+00> : vector<1024xf32>
    %reduce_sum3A_79 = vector.multi_reduction <add>, %exp3A_77, %reduce_sum3A_78 [1] : vector<1024x1024xf32> to vector<1024xf32>
    %broadcast_in_dim3A_80 = vector.shape_cast %reduce_sum3A_79 : vector<1024xf32> to vector<1024x1xf32>
    %dot_general3A_81 = arith.constant dense<0.000000e+00> : vector<1024x64xf32>
    %dot_general3A_82 = tpu.matmul %exp3A_77, %get3A_63, %dot_general3A_81 {dimension_numbers = #tpu.dot_dimension_numbers<[1], [0], [0], [1], [0, 0, 1, 1], [], []>, transpose_lhs_hint = false} : vector<1024x1024xf32>, vector<1024x64xf32>, vector<1024x64xf32> -> vector<1024x64xf32>
    %get3A_83 = arith.constant 1024 : index
    %get3A_84 = arith.constant 64 : index
    %get3A_85 = vector.load %arg3[%get3A_83, %get3A_84] : memref<2048x128xf32, #tpu.memory_space<vmem>>, vector<1024x64xf32>
    %get3A_86 = arith.constant 1024 : index
    %get3A_87 = arith.constant 64 : index
    %get3A_88 = vector.load %arg4[%get3A_86, %get3A_87] : memref<2048x128xf32, #tpu.memory_space<vmem>>, vector<1024x64xf32>
    %dot_general3A_89 = arith.constant dense<0.000000e+00> : vector<1024x1024xf32>
    %dot_general3A_90 = tpu.matmul %slice3A_57, %get3A_85, %dot_general3A_89 {dimension_numbers = #tpu.dot_dimension_numbers<[1], [1], [0], [0], [0, 0, 1, 0], [], []>, transpose_lhs_hint = false} : vector<1024x64xf32>, vector<1024x64xf32>, vector<1024x1024xf32> -> vector<1024x1024xf32>
    %mul3A_91 = arith.constant 1.250000e-01 : f32
    %mul3A_92 = vector.broadcast %mul3A_91 : f32 to vector<1024x1024xf32>
    %mul3A_93 = arith.mulf %dot_general3A_90, %mul3A_92 : vector<1024x1024xf32>
    %slice3A_94 = vector.extract_strided_slice %get3A_4 {offsets = [0, 1024], sizes = [1, 1024], strides = [1, 1]} : vector<1x2048xf32> to vector<1x1024xf32>
    %add3A_95 = vector.broadcast %slice3A_94 : vector<1x1024xf32> to vector<1024x1024xf32>
    %add3A_96 = arith.addf %mul3A_93, %add3A_95 : vector<1024x1024xf32>
    %reduce_max3A_97 = arith.constant dense<0xFF800000> : vector<1024xf32>
    %reduce_max3A_98 = vector.multi_reduction <maximumf>, %add3A_96, %reduce_max3A_97 [1] : vector<1024x1024xf32> to vector<1024xf32>
    %broadcast_in_dim3A_99 = vector.shape_cast %reduce_max3A_98 : vector<1024xf32> to vector<1024x1xf32>
    %max3A_100 = arith.maximumf %broadcast_in_dim3A_74, %broadcast_in_dim3A_99 : vector<1024x1xf32>
    %sub3A_101 = arith.subf %broadcast_in_dim3A_74, %max3A_100 : vector<1024x1xf32>
    %exp3A_102 = math.exp %sub3A_101 : vector<1024x1xf32>
    %sub3A_103 = vector.broadcast %max3A_100 : vector<1024x1xf32> to vector<1024x1024xf32>
    %sub3A_104 = arith.subf %add3A_96, %sub3A_103 : vector<1024x1024xf32>
    %exp3A_105 = math.exp %sub3A_104 : vector<1024x1024xf32>
    %mul3A_106 = arith.mulf %broadcast_in_dim3A_80, %exp3A_102 : vector<1024x1xf32>
    %reduce_sum3A_107 = arith.constant dense<0.000000e+00> : vector<1024xf32>
    %reduce_sum3A_108 = vector.multi_reduction <add>, %exp3A_105, %reduce_sum3A_107 [1] : vector<1024x1024xf32> to vector<1024xf32>
    %broadcast_in_dim3A_109 = vector.shape_cast %reduce_sum3A_108 : vector<1024xf32> to vector<1024x1xf32>
    %add3A_110 = arith.addf %mul3A_106, %broadcast_in_dim3A_109 : vector<1024x1xf32>
    %mul3A_111 = vector.broadcast %exp3A_102 : vector<1024x1xf32> to vector<1024x64xf32>
    %mul3A_112 = arith.mulf %dot_general3A_82, %mul3A_111 : vector<1024x64xf32>
    %dot_general3A_113 = arith.constant dense<0.000000e+00> : vector<1024x64xf32>
    %dot_general3A_114 = tpu.matmul %exp3A_105, %get3A_88, %dot_general3A_113 {dimension_numbers = #tpu.dot_dimension_numbers<[1], [0], [0], [1], [0, 0, 1, 1], [], []>, transpose_lhs_hint = false} : vector<1024x1024xf32>, vector<1024x64xf32>, vector<1024x64xf32> -> vector<1024x64xf32>
    %add3A_115 = arith.addf %mul3A_112, %dot_general3A_114 : vector<1024x64xf32>
    %div3A_116 = vector.broadcast %add3A_110 : vector<1024x1xf32> to vector<1024x64xf32>
    %div3A_117 = arith.divf %add3A_115, %div3A_116 : vector<1024x64xf32>
    %swap3A_118 = arith.constant 0 : index
    %swap3A_119 = arith.constant 64 : index
    %swap3A_120 = vector.load %arg6[%swap3A_118, %swap3A_119] : memref<1024x128xf32, #tpu.memory_space<vmem>>, vector<1024x64xf32>
    tpu.vector_store %arg6[%swap3A_118, %swap3A_119], %div3A_117 {strides = array<i32>} : memref<1024x128xf32, #tpu.memory_space<vmem>>, vector<1024x64xf32>,
    return
  }
  func.func @transform_0(%arg0: i32, %arg1: i32) -> (i32, i32) {
    %c0_i32 = arith.constant 0 : i32
    return %arg1, %arg0 : i32, i32
  }
  func.func @transform_1(%arg0: i32, %arg1: i32) -> (i32, i32) {
    %add3A = arith.constant 6 : i32
    %add3A_0 = arith.addi %add3A, %arg0 : i32
    %c0_i32 = arith.constant 0 : i32
    %c0_i32_1 = arith.constant 0 : i32
    return %c0_i32, %add3A_0 : i32, i32
  }
  func.func @transform_2(%arg0: i32, %arg1: i32) -> (i32, i32) {
    %add3A = arith.constant 12 : i32
    %add3A_0 = arith.addi %add3A, %arg0 : i32
    %c0_i32 = arith.constant 0 : i32
    %c0_i32_1 = arith.constant 0 : i32
    return %c0_i32, %add3A_0 : i32, i32
  }
  func.func @transform_3(%arg0: i32, %arg1: i32) -> (i32, i32) {
    %c0_i32 = arith.constant 0 : i32
    %c0_i32_0 = arith.constant 0 : i32
    %c0_i32_1 = arith.constant 0 : i32
    return %c0_i32, %c0_i32_0 : i32, i32
  }
  func.func @transform_4(%arg0: i32, %arg1: i32) -> (i32, i32) {
    %c0_i32 = arith.constant 0 : i32
    return %arg1, %arg0 : i32, i32
  }
}

module attributes {stable_mosaic.version = 14 : i64} {
  func.func @_qkv_body(%arg0: i32, %arg1: memref<512x768xf32, #tpu.memory_space<vmem>>, %arg2: memref<768x768xf32, #tpu.memory_space<vmem>>, %arg3: memref<768x768xf32, #tpu.memory_space<vmem>>, %arg4: memref<768x768xf32, #tpu.memory_space<vmem>>, %arg5: memref<1x768xf32, #tpu.memory_space<vmem>>, %arg6: memref<1x768xf32, #tpu.memory_space<vmem>>, %arg7: memref<1x768xf32, #tpu.memory_space<vmem>>, %arg8: memref<512x2304xf32, #tpu.memory_space<vmem>>) attributes {dimension_semantics = [#tpu.dimension_semantics<arbitrary>], iteration_bounds = array<i64: 4>, scalar_prefetch = 0 : i64, scratch_operands = 0 : i64, tpu.core_type = #tpu.core_type<tc>, window_params = [{transform_indices = @transform_0, window_bounds = array<i64: 512, 768>}, {pipeline_mode = #tpu.pipeline_mode<synchronous>, transform_indices = @transform_1, window_bounds = array<i64: 768, 768>}, {pipeline_mode = #tpu.pipeline_mode<synchronous>, transform_indices = @transform_2, window_bounds = array<i64: 768, 768>}, {pipeline_mode = #tpu.pipeline_mode<synchronous>, transform_indices = @transform_3, window_bounds = array<i64: 768, 768>}, {pipeline_mode = #tpu.pipeline_mode<synchronous>, transform_indices = @transform_4, window_bounds = array<i64: 1, 768>}, {pipeline_mode = #tpu.pipeline_mode<synchronous>, transform_indices = @transform_5, window_bounds = array<i64: 1, 768>}, {pipeline_mode = #tpu.pipeline_mode<synchronous>, transform_indices = @transform_6, window_bounds = array<i64: 1, 768>}, {transform_indices = @transform_7, window_bounds = array<i64: 512, 2304>}]} {
    %get3A = arith.constant 0 : index
    %get3A_0 = arith.constant 0 : index
    %get3A_1 = vector.load %arg1[%get3A, %get3A_0] : memref<512x768xf32, #tpu.memory_space<vmem>>, vector<512x768xf32>
    %get3A_2 = arith.constant 0 : index
    %get3A_3 = arith.constant 0 : index
    %get3A_4 = vector.load %arg2[%get3A_2, %get3A_3] : memref<768x768xf32, #tpu.memory_space<vmem>>, vector<768x768xf32>
    %dot_general3A = arith.constant dense<0.000000e+00> : vector<512x768xf32>
    %dot_general3A_5 = tpu.matmul %get3A_1, %get3A_4, %dot_general3A {dimension_numbers = #tpu.dot_dimension_numbers<[1], [0], [0], [1], [0, 0, 1, 1], [], []>, transpose_lhs_hint = false} : vector<512x768xf32>, vector<768x768xf32>, vector<512x768xf32> -> vector<512x768xf32>
    %get3A_6 = arith.constant 0 : index
    %get3A_7 = arith.constant 0 : index
    %get3A_8 = vector.load %arg5[%get3A_6, %get3A_7] : memref<1x768xf32, #tpu.memory_space<vmem>>, vector<1x768xf32>
    %add3A = vector.broadcast %get3A_8 : vector<1x768xf32> to vector<512x768xf32>
    %add3A_9 = arith.addf %dot_general3A_5, %add3A : vector<512x768xf32>
    %swap3A = arith.constant 0 : index
    %swap3A_10 = arith.constant 0 : index
    %swap3A_11 = vector.load %arg8[%swap3A, %swap3A_10] : memref<512x2304xf32, #tpu.memory_space<vmem>>, vector<512x768xf32>
    tpu.vector_store %arg8[%swap3A, %swap3A_10], %add3A_9 {strides = array<i32>} : memref<512x2304xf32, #tpu.memory_space<vmem>>, vector<512x768xf32>,
    %get3A_12 = arith.constant 0 : index
    %get3A_13 = arith.constant 0 : index
    %get3A_14 = vector.load %arg3[%get3A_12, %get3A_13] : memref<768x768xf32, #tpu.memory_space<vmem>>, vector<768x768xf32>
    %dot_general3A_15 = arith.constant dense<0.000000e+00> : vector<512x768xf32>
    %dot_general3A_16 = tpu.matmul %get3A_1, %get3A_14, %dot_general3A_15 {dimension_numbers = #tpu.dot_dimension_numbers<[1], [0], [0], [1], [0, 0, 1, 1], [], []>, transpose_lhs_hint = false} : vector<512x768xf32>, vector<768x768xf32>, vector<512x768xf32> -> vector<512x768xf32>
    %get3A_17 = arith.constant 0 : index
    %get3A_18 = arith.constant 0 : index
    %get3A_19 = vector.load %arg6[%get3A_17, %get3A_18] : memref<1x768xf32, #tpu.memory_space<vmem>>, vector<1x768xf32>
    %add3A_20 = vector.broadcast %get3A_19 : vector<1x768xf32> to vector<512x768xf32>
    %add3A_21 = arith.addf %dot_general3A_16, %add3A_20 : vector<512x768xf32>
    %swap3A_22 = arith.constant 0 : index
    %swap3A_23 = arith.constant 768 : index
    %swap3A_24 = vector.load %arg8[%swap3A_22, %swap3A_23] : memref<512x2304xf32, #tpu.memory_space<vmem>>, vector<512x768xf32>
    tpu.vector_store %arg8[%swap3A_22, %swap3A_23], %add3A_21 {strides = array<i32>} : memref<512x2304xf32, #tpu.memory_space<vmem>>, vector<512x768xf32>,
    %get3A_25 = arith.constant 0 : index
    %get3A_26 = arith.constant 0 : index
    %get3A_27 = vector.load %arg4[%get3A_25, %get3A_26] : memref<768x768xf32, #tpu.memory_space<vmem>>, vector<768x768xf32>
    %dot_general3A_28 = arith.constant dense<0.000000e+00> : vector<512x768xf32>
    %dot_general3A_29 = tpu.matmul %get3A_1, %get3A_27, %dot_general3A_28 {dimension_numbers = #tpu.dot_dimension_numbers<[1], [0], [0], [1], [0, 0, 1, 1], [], []>, transpose_lhs_hint = false} : vector<512x768xf32>, vector<768x768xf32>, vector<512x768xf32> -> vector<512x768xf32>
    %get3A_30 = arith.constant 0 : index
    %get3A_31 = arith.constant 0 : index
    %get3A_32 = vector.load %arg7[%get3A_30, %get3A_31] : memref<1x768xf32, #tpu.memory_space<vmem>>, vector<1x768xf32>
    %add3A_33 = vector.broadcast %get3A_32 : vector<1x768xf32> to vector<512x768xf32>
    %add3A_34 = arith.addf %dot_general3A_29, %add3A_33 : vector<512x768xf32>
    %swap3A_35 = arith.constant 0 : index
    %swap3A_36 = arith.constant 1536 : index
    %swap3A_37 = vector.load %arg8[%swap3A_35, %swap3A_36] : memref<512x2304xf32, #tpu.memory_space<vmem>>, vector<512x768xf32>
    tpu.vector_store %arg8[%swap3A_35, %swap3A_36], %add3A_34 {strides = array<i32>} : memref<512x2304xf32, #tpu.memory_space<vmem>>, vector<512x768xf32>,
    return
  }
  func.func @transform_0(%arg0: i32) -> (i32, i32) {
    %c0_i32 = arith.constant 0 : i32
    %c0_i32_0 = arith.constant 0 : i32
    return %arg0, %c0_i32 : i32, i32
  }
  func.func @transform_1(%arg0: i32) -> (i32, i32) {
    %c0_i32 = arith.constant 0 : i32
    %c0_i32_0 = arith.constant 0 : i32
    %c0_i32_1 = arith.constant 0 : i32
    return %c0_i32, %c0_i32_0 : i32, i32
  }
  func.func @transform_2(%arg0: i32) -> (i32, i32) {
    %c0_i32 = arith.constant 0 : i32
    %c0_i32_0 = arith.constant 0 : i32
    %c0_i32_1 = arith.constant 0 : i32
    return %c0_i32, %c0_i32_0 : i32, i32
  }
  func.func @transform_3(%arg0: i32) -> (i32, i32) {
    %c0_i32 = arith.constant 0 : i32
    %c0_i32_0 = arith.constant 0 : i32
    %c0_i32_1 = arith.constant 0 : i32
    return %c0_i32, %c0_i32_0 : i32, i32
  }
  func.func @transform_4(%arg0: i32) -> (i32, i32) {
    %c0_i32 = arith.constant 0 : i32
    %c0_i32_0 = arith.constant 0 : i32
    %c0_i32_1 = arith.constant 0 : i32
    return %c0_i32, %c0_i32_0 : i32, i32
  }
  func.func @transform_5(%arg0: i32) -> (i32, i32) {
    %c0_i32 = arith.constant 0 : i32
    %c0_i32_0 = arith.constant 0 : i32
    %c0_i32_1 = arith.constant 0 : i32
    return %c0_i32, %c0_i32_0 : i32, i32
  }
  func.func @transform_6(%arg0: i32) -> (i32, i32) {
    %c0_i32 = arith.constant 0 : i32
    %c0_i32_0 = arith.constant 0 : i32
    %c0_i32_1 = arith.constant 0 : i32
    return %c0_i32, %c0_i32_0 : i32, i32
  }
  func.func @transform_7(%arg0: i32) -> (i32, i32) {
    %c0_i32 = arith.constant 0 : i32
    %c0_i32_0 = arith.constant 0 : i32
    return %arg0, %c0_i32 : i32, i32
  }
}

module attributes {stable_mosaic.version = 14 : i64} {
  func.func @_route_body(%arg0: i32, %arg1: memref<256x768xf32, #tpu.memory_space<vmem>>, %arg2: memref<256x768xf32, #tpu.memory_space<vmem>>, %arg3: memref<768x768xf32, #tpu.memory_space<vmem>>, %arg4: memref<1x768xf32, #tpu.memory_space<vmem>>, %arg5: memref<1x768xf32, #tpu.memory_space<vmem>>, %arg6: memref<1x768xf32, #tpu.memory_space<vmem>>, %arg7: memref<768x8xf32, #tpu.memory_space<vmem>>, %arg8: memref<1x8xf32, #tpu.memory_space<vmem>>, %arg9: memref<256x768xf32, #tpu.memory_space<vmem>>, %arg10: memref<256x8xf32, #tpu.memory_space<vmem>>, %arg11: memref<1x1x256xi32, #tpu.memory_space<vmem>>, %arg12: memref<1x1x32xi32, #tpu.memory_space<vmem>>, %arg13: memref<1x1x32xi32, #tpu.memory_space<vmem>>, %arg14: memref<1x8xf32, #tpu.memory_space<vmem>>, %arg15: memref<8x256xi32, #tpu.memory_space<vmem>>, %arg16: memref<8x256xi32, #tpu.memory_space<vmem>>) attributes {dimension_semantics = [#tpu.dimension_semantics<arbitrary>], iteration_bounds = array<i64: 16>, scalar_prefetch = 0 : i64, scratch_operands = 3 : i64, tpu.core_type = #tpu.core_type<tc>, window_params = [{transform_indices = @transform_0, window_bounds = array<i64: 256, 768>}, {transform_indices = @transform_1, window_bounds = array<i64: 256, 768>}, {pipeline_mode = #tpu.pipeline_mode<synchronous>, transform_indices = @transform_2, window_bounds = array<i64: 768, 768>}, {pipeline_mode = #tpu.pipeline_mode<synchronous>, transform_indices = @transform_3, window_bounds = array<i64: 1, 768>}, {pipeline_mode = #tpu.pipeline_mode<synchronous>, transform_indices = @transform_4, window_bounds = array<i64: 1, 768>}, {pipeline_mode = #tpu.pipeline_mode<synchronous>, transform_indices = @transform_5, window_bounds = array<i64: 1, 768>}, {pipeline_mode = #tpu.pipeline_mode<synchronous>, transform_indices = @transform_6, window_bounds = array<i64: 768, 8>}, {pipeline_mode = #tpu.pipeline_mode<synchronous>, transform_indices = @transform_7, window_bounds = array<i64: 1, 8>}, {transform_indices = @transform_8, window_bounds = array<i64: 256, 768>}, {transform_indices = @transform_9, window_bounds = array<i64: 256, 8>}, {transform_indices = @transform_10, window_bounds = array<i64: 1, 1, 256>}, {pipeline_mode = #tpu.pipeline_mode<synchronous>, transform_indices = @transform_11, window_bounds = array<i64: 1, 1, 32>}, {pipeline_mode = #tpu.pipeline_mode<synchronous>, transform_indices = @transform_12, window_bounds = array<i64: 1, 1, 32>}]} {
    %eq3A = arith.constant 0 : i32
    %eq3A_0 = arith.cmpi eq, %arg0, %eq3A : i32
    %convert_element_type3A = arith.extui %eq3A_0 : i1 to i32
    %cond3A = arith.constant 0 : i32
    %cond3A_1 = arith.cmpi ne, %convert_element_type3A, %cond3A : i32
    scf.if %cond3A_1 {
      %broadcast_in_dim3A = arith.constant 0.000000e+00 : f32
      %broadcast_in_dim3A_10 = vector.broadcast %broadcast_in_dim3A : f32 to vector<1x8xf32>
      %swap3A = arith.constant 0 : index
      %swap3A_11 = arith.constant 0 : index
      %swap3A_12 = vector.load %arg14[%swap3A, %swap3A_11] : memref<1x8xf32, #tpu.memory_space<vmem>>, vector<1x8xf32>
      tpu.vector_store %arg14[%swap3A, %swap3A_11], %broadcast_in_dim3A_10 {strides = array<i32>} : memref<1x8xf32, #tpu.memory_space<vmem>>, vector<1x8xf32>,
    } else {
    }
    %lt3A = arith.constant 8 : i32
    %lt3A_2 = arith.cmpi slt, %arg0, %lt3A : i32
    %convert_element_type3A_3 = arith.extui %lt3A_2 : i1 to i32
    %cond3A_4 = arith.constant 0 : i32
    %cond3A_5 = arith.cmpi ne, %convert_element_type3A_3, %cond3A_4 : i32
    scf.if %cond3A_5 {
      %get3A = arith.constant 0 : index
      %get3A_10 = arith.constant 0 : index
      %get3A_11 = vector.load %arg1[%get3A, %get3A_10] : memref<256x768xf32, #tpu.memory_space<vmem>>, vector<256x768xf32>
      %get3A_12 = arith.constant 0 : index
      %get3A_13 = arith.constant 0 : index
      %get3A_14 = vector.load %arg3[%get3A_12, %get3A_13] : memref<768x768xf32, #tpu.memory_space<vmem>>, vector<768x768xf32>
      %dot_general3A = arith.constant dense<0.000000e+00> : vector<256x768xf32>
      %dot_general3A_15 = tpu.matmul %get3A_11, %get3A_14, %dot_general3A {dimension_numbers = #tpu.dot_dimension_numbers<[1], [0], [0], [1], [0, 0, 1, 1], [], []>, transpose_lhs_hint = false} : vector<256x768xf32>, vector<768x768xf32>, vector<256x768xf32> -> vector<256x768xf32>
      %get3A_16 = arith.constant 0 : index
      %get3A_17 = arith.constant 0 : index
      %get3A_18 = vector.load %arg4[%get3A_16, %get3A_17] : memref<1x768xf32, #tpu.memory_space<vmem>>, vector<1x768xf32>
      %add3A = vector.broadcast %get3A_18 : vector<1x768xf32> to vector<256x768xf32>
      %add3A_19 = arith.addf %dot_general3A_15, %add3A : vector<256x768xf32>
      %get3A_20 = arith.constant 0 : index
      %get3A_21 = arith.constant 0 : index
      %get3A_22 = vector.load %arg2[%get3A_20, %get3A_21] : memref<256x768xf32, #tpu.memory_space<vmem>>, vector<256x768xf32>
      %add3A_23 = arith.addf %add3A_19, %get3A_22 : vector<256x768xf32>
      %get3A_24 = arith.constant 0 : index
      %get3A_25 = arith.constant 0 : index
      %get3A_26 = vector.load %arg5[%get3A_24, %get3A_25] : memref<1x768xf32, #tpu.memory_space<vmem>>, vector<1x768xf32>
      %get3A_27 = arith.constant 0 : index
      %get3A_28 = arith.constant 0 : index
      %get3A_29 = vector.load %arg6[%get3A_27, %get3A_28] : memref<1x768xf32, #tpu.memory_space<vmem>>, vector<1x768xf32>
      %reduce_sum3A = arith.constant dense<0.000000e+00> : vector<256xf32>
      %reduce_sum3A_30 = vector.multi_reduction <add>, %add3A_23, %reduce_sum3A [1] : vector<256x768xf32> to vector<256xf32>
      %broadcast_in_dim3A = vector.shape_cast %reduce_sum3A_30 : vector<256xf32> to vector<256x1xf32>
      %div3A = arith.constant 7.680000e+02 : f32
      %div3A_31 = vector.broadcast %div3A : f32 to vector<256x1xf32>
      %div3A_32 = arith.divf %broadcast_in_dim3A, %div3A_31 : vector<256x1xf32>
      %sub3A = vector.broadcast %div3A_32 : vector<256x1xf32> to vector<256x768xf32>
      %sub3A_33 = arith.subf %add3A_23, %sub3A : vector<256x768xf32>
      %integer_pow3A = arith.mulf %sub3A_33, %sub3A_33 : vector<256x768xf32>
      %reduce_sum3A_34 = arith.constant dense<0.000000e+00> : vector<256xf32>
      %reduce_sum3A_35 = vector.multi_reduction <add>, %integer_pow3A, %reduce_sum3A_34 [1] : vector<256x768xf32> to vector<256xf32>
      %broadcast_in_dim3A_36 = vector.shape_cast %reduce_sum3A_35 : vector<256xf32> to vector<256x1xf32>
      %div3A_37 = arith.constant 7.680000e+02 : f32
      %div3A_38 = vector.broadcast %div3A_37 : f32 to vector<256x1xf32>
      %div3A_39 = arith.divf %broadcast_in_dim3A_36, %div3A_38 : vector<256x1xf32>
      %sub3A_40 = vector.broadcast %div3A_32 : vector<256x1xf32> to vector<256x768xf32>
      %sub3A_41 = arith.subf %add3A_23, %sub3A_40 : vector<256x768xf32>
      %add3A_42 = arith.constant 9.99999996E-13 : f32
      %add3A_43 = vector.broadcast %add3A_42 : f32 to vector<256x1xf32>
      %add3A_44 = arith.addf %div3A_39, %add3A_43 : vector<256x1xf32>
      %sqrt3A = math.sqrt %add3A_44 : vector<256x1xf32>
      %div3A_45 = vector.broadcast %sqrt3A : vector<256x1xf32> to vector<256x768xf32>
      %div3A_46 = arith.divf %sub3A_41, %div3A_45 : vector<256x768xf32>
      %mul3A = vector.broadcast %get3A_26 : vector<1x768xf32> to vector<256x768xf32>
      %mul3A_47 = arith.mulf %div3A_46, %mul3A : vector<256x768xf32>
      %add3A_48 = vector.broadcast %get3A_29 : vector<1x768xf32> to vector<256x768xf32>
      %add3A_49 = arith.addf %mul3A_47, %add3A_48 : vector<256x768xf32>
      %swap3A = arith.constant 0 : index
      %swap3A_50 = arith.constant 0 : index
      %swap3A_51 = vector.load %arg9[%swap3A, %swap3A_50] : memref<256x768xf32, #tpu.memory_space<vmem>>, vector<256x768xf32>
      tpu.vector_store %arg9[%swap3A, %swap3A_50], %add3A_49 {strides = array<i32>} : memref<256x768xf32, #tpu.memory_space<vmem>>, vector<256x768xf32>,
      %get3A_52 = arith.constant 0 : index
      %get3A_53 = arith.constant 0 : index
      %get3A_54 = vector.load %arg7[%get3A_52, %get3A_53] : memref<768x8xf32, #tpu.memory_space<vmem>>, vector<768x8xf32>
      %dot_general3A_55 = arith.constant dense<0.000000e+00> : vector<256x8xf32>
      %dot_general3A_56 = tpu.matmul %add3A_49, %get3A_54, %dot_general3A_55 {dimension_numbers = #tpu.dot_dimension_numbers<[1], [0], [0], [1], [0, 0, 1, 1], [], []>, transpose_lhs_hint = false} : vector<256x768xf32>, vector<768x8xf32>, vector<256x8xf32> -> vector<256x8xf32>
      %get3A_57 = arith.constant 0 : index
      %get3A_58 = arith.constant 0 : index
      %get3A_59 = vector.load %arg8[%get3A_57, %get3A_58] : memref<1x8xf32, #tpu.memory_space<vmem>>, vector<1x8xf32>
      %add3A_60 = vector.broadcast %get3A_59 : vector<1x8xf32> to vector<256x8xf32>
      %add3A_61 = arith.addf %dot_general3A_56, %add3A_60 : vector<256x8xf32>
      %reduce_max3A = arith.constant dense<0xFF800000> : vector<256xf32>
      %reduce_max3A_62 = vector.multi_reduction <maximumf>, %add3A_61, %reduce_max3A [1] : vector<256x8xf32> to vector<256xf32>
      %broadcast_in_dim3A_63 = vector.shape_cast %reduce_max3A_62 : vector<256xf32> to vector<256x1xf32>
      %sub3A_64 = vector.broadcast %broadcast_in_dim3A_63 : vector<256x1xf32> to vector<256x8xf32>
      %sub3A_65 = arith.subf %add3A_61, %sub3A_64 : vector<256x8xf32>
      %exp3A = math.exp %sub3A_65 : vector<256x8xf32>
      %reduce_sum3A_66 = arith.constant dense<0.000000e+00> : vector<256xf32>
      %reduce_sum3A_67 = vector.multi_reduction <add>, %exp3A, %reduce_sum3A_66 [1] : vector<256x8xf32> to vector<256xf32>
      %broadcast_in_dim3A_68 = vector.shape_cast %reduce_sum3A_67 : vector<256xf32> to vector<256x1xf32>
      %div3A_69 = vector.broadcast %broadcast_in_dim3A_68 : vector<256x1xf32> to vector<256x8xf32>
      %div3A_70 = arith.divf %exp3A, %div3A_69 : vector<256x8xf32>
      %swap3A_71 = arith.constant 0 : index
      %swap3A_72 = arith.constant 0 : index
      %swap3A_73 = vector.load %arg10[%swap3A_71, %swap3A_72] : memref<256x8xf32, #tpu.memory_space<vmem>>, vector<256x8xf32>
      tpu.vector_store %arg10[%swap3A_71, %swap3A_72], %div3A_70 {strides = array<i32>} : memref<256x8xf32, #tpu.memory_space<vmem>>, vector<256x8xf32>,
      %reduce_max3A_74 = arith.constant dense<0xFF800000> : vector<256xf32>
      %reduce_max3A_75 = vector.multi_reduction <maximumf>, %div3A_70, %reduce_max3A_74 [1] : vector<256x8xf32> to vector<256xf32>
      %broadcast_in_dim3A_76 = vector.shape_cast %reduce_max3A_75 : vector<256xf32> to vector<256x1xf32>
      %iota3A = tpu.iota {dimensions = array<i32: 1>} : vector<256x8xi32>
      %ge3A_77 = vector.broadcast %broadcast_in_dim3A_76 : vector<256x1xf32> to vector<256x8xf32>
      %ge3A_78 = arith.cmpf oge, %div3A_70, %ge3A_77 : vector<256x8xf32>
      %jit3A = arith.constant 8 : i32
      %broadcast_in_dim3A_79 = vector.broadcast %jit3A : i32 to vector<256x8xi32>
      %select_n3A = arith.select %ge3A_78, %iota3A, %broadcast_in_dim3A_79 : vector<256x8xi1>, vector<256x8xi32>
      %reduce_min3A = arith.constant dense<2147483647> : vector<256xi32>
      %reduce_min3A_80 = vector.multi_reduction <minsi>, %select_n3A, %reduce_min3A [1] : vector<256x8xi32> to vector<256xi32>
      %broadcast_in_dim3A_81 = vector.shape_cast %reduce_min3A_80 : vector<256xi32> to vector<256x1xi32>
      %eq3A_82 = vector.broadcast %broadcast_in_dim3A_81 : vector<256x1xi32> to vector<256x8xi32>
      %eq3A_83 = arith.cmpi eq, %iota3A, %eq3A_82 : vector<256x8xi32>
      %convert_element_type3A_84 = arith.extui %eq3A_83 : vector<256x8xi1> to vector<256x8xi32>
      %convert_element_type3A_85 = arith.sitofp %convert_element_type3A_84 : vector<256x8xi32> to vector<256x8xf32>
      %iota3A_86 = tpu.iota {dimensions = array<i32: 0>} : vector<256x256xi32>
      %iota3A_87 = tpu.iota {dimensions = array<i32: 1>} : vector<256x256xi32>
      %gt3A = arith.cmpi sgt, %iota3A_86, %iota3A_87 : vector<256x256xi32>
      %convert_element_type3A_88 = arith.extui %gt3A : vector<256x256xi1> to vector<256x256xi32>
      %convert_element_type3A_89 = arith.sitofp %convert_element_type3A_88 : vector<256x256xi32> to vector<256x256xf32>
      %dot_general3A_90 = arith.constant dense<0.000000e+00> : vector<256x8xf32>
      %dot_general3A_91 = tpu.matmul %convert_element_type3A_89, %convert_element_type3A_85, %dot_general3A_90 {dimension_numbers = #tpu.dot_dimension_numbers<[1], [0], [0], [1], [0, 0, 1, 1], [], []>, transpose_lhs_hint = false} : vector<256x256xf32>, vector<256x8xf32>, vector<256x8xf32> -> vector<256x8xf32>
      %get3A_92 = arith.constant 0 : index
      %get3A_93 = arith.constant 0 : index
      %get3A_94 = vector.load %arg14[%get3A_92, %get3A_93] : memref<1x8xf32, #tpu.memory_space<vmem>>, vector<1x8xf32>
      %add3A_95 = vector.broadcast %get3A_94 : vector<1x8xf32> to vector<256x8xf32>
      %add3A_96 = arith.addf %dot_general3A_91, %add3A_95 : vector<256x8xf32>
      %mul3A_97 = arith.mulf %convert_element_type3A_85, %add3A_96 : vector<256x8xf32>
      %reduce_sum3A_98 = arith.constant dense<0.000000e+00> : vector<256xf32>
      %reduce_sum3A_99 = vector.multi_reduction <add>, %mul3A_97, %reduce_sum3A_98 [1] : vector<256x8xf32> to vector<256xf32>
      %convert_element_type3A_100 = arith.fptosi %reduce_sum3A_99 : vector<256xf32> to vector<256xi32>
      %reshape3A = vector.shape_cast %convert_element_type3A_100 : vector<256xi32> to vector<1x256xi32>
      %swap3A_101 = arith.index_cast %arg0 : i32 to index
      %swap3A_102 = arith.constant 0 : index
      %swap3A_103 = vector.load %arg15[%swap3A_101, %swap3A_102] : memref<8x256xi32, #tpu.memory_space<vmem>>, vector<1x256xi32>
      tpu.vector_store %arg15[%swap3A_101, %swap3A_102], %reshape3A {strides = array<i32>} : memref<8x256xi32, #tpu.memory_space<vmem>>, vector<1x256xi32>,
      %reshape3A_104 = vector.shape_cast %reduce_min3A_80 : vector<256xi32> to vector<1x256xi32>
      %swap3A_105 = arith.index_cast %arg0 : i32 to index
      %swap3A_106 = arith.constant 0 : index
      %swap3A_107 = vector.load %arg16[%swap3A_105, %swap3A_106] : memref<8x256xi32, #tpu.memory_space<vmem>>, vector<1x256xi32>
      tpu.vector_store %arg16[%swap3A_105, %swap3A_106], %reshape3A_104 {strides = array<i32>} : memref<8x256xi32, #tpu.memory_space<vmem>>, vector<1x256xi32>,
      %reduce_sum3A_108 = arith.constant dense<0.000000e+00> : vector<8xf32>
      %reduce_sum3A_109 = vector.multi_reduction <add>, %convert_element_type3A_85, %reduce_sum3A_108 [0] : vector<256x8xf32> to vector<8xf32>
      %broadcast_in_dim3A_110 = vector.shape_cast %reduce_sum3A_109 : vector<8xf32> to vector<1x8xf32>
      %add3A_111 = arith.addf %get3A_94, %broadcast_in_dim3A_110 : vector<1x8xf32>
      %swap3A_112 = arith.constant 0 : index
      %swap3A_113 = arith.constant 0 : index
      %swap3A_114 = vector.load %arg14[%swap3A_112, %swap3A_113] : memref<1x8xf32, #tpu.memory_space<vmem>>, vector<1x8xf32>
      tpu.vector_store %arg14[%swap3A_112, %swap3A_113], %add3A_111 {strides = array<i32>} : memref<1x8xf32, #tpu.memory_space<vmem>>, vector<1x8xf32>,
    } else {
    }
    %ge3A = arith.constant 8 : i32
    %ge3A_6 = arith.cmpi sge, %arg0, %ge3A : i32
    %convert_element_type3A_7 = arith.extui %ge3A_6 : i1 to i32
    %cond3A_8 = arith.constant 0 : i32
    %cond3A_9 = arith.cmpi ne, %convert_element_type3A_7, %cond3A_8 : i32
    scf.if %cond3A_9 {
      %sub3A = arith.constant 8 : i32
      %sub3A_10 = arith.subi %arg0, %sub3A : i32
      %get3A = arith.constant 0 : index
      %get3A_11 = arith.constant 0 : index
      %get3A_12 = vector.load %arg14[%get3A, %get3A_11] : memref<1x8xf32, #tpu.memory_space<vmem>>, vector<1x8xf32>
      %convert_element_type3A_13 = arith.fptosi %get3A_12 : vector<1x8xf32> to vector<1x8xi32>
      %add3A = arith.constant 127 : i32
      %add3A_14 = vector.broadcast %add3A : i32 to vector<1x8xi32>
      %add3A_15 = arith.addi %convert_element_type3A_13, %add3A_14 : vector<1x8xi32>
      %shift_right_logical3A = arith.constant 7 : i32
      %shift_right_logical3A_16 = vector.broadcast %shift_right_logical3A : i32 to vector<1x8xi32>
      %shift_right_logical3A_17 = arith.shrui %add3A_15, %shift_right_logical3A_16 : vector<1x8xi32>
      %convert_element_type3A_18 = arith.sitofp %shift_right_logical3A_17 : vector<1x8xi32> to vector<1x8xf32>
      %iota3A = tpu.iota {dimensions = array<i32: 0>} : vector<8x8xi32>
      %iota3A_19 = tpu.iota {dimensions = array<i32: 1>} : vector<8x8xi32>
      %le3A = arith.cmpi sle, %iota3A, %iota3A_19 : vector<8x8xi32>
      %convert_element_type3A_20 = arith.extui %le3A : vector<8x8xi1> to vector<8x8xi32>
      %convert_element_type3A_21 = arith.sitofp %convert_element_type3A_20 : vector<8x8xi32> to vector<8x8xf32>
      %dot_general3A = arith.constant dense<0.000000e+00> : vector<1x8xf32>
      %dot_general3A_22 = tpu.matmul %convert_element_type3A_18, %convert_element_type3A_21, %dot_general3A {dimension_numbers = #tpu.dot_dimension_numbers<[1], [0], [0], [1], [0, 0, 1, 1], [], []>, transpose_lhs_hint = false} : vector<1x8xf32>, vector<8x8xf32>, vector<1x8xf32> -> vector<1x8xf32>
      %sub3A_23 = arith.subf %dot_general3A_22, %convert_element_type3A_18 : vector<1x8xf32>
      %mul3A = arith.constant 1.280000e+02 : f32
      %mul3A_24 = vector.broadcast %mul3A : f32 to vector<1x8xf32>
      %mul3A_25 = arith.mulf %sub3A_23, %mul3A_24 : vector<1x8xf32>
      %convert_element_type3A_26 = arith.fptosi %mul3A_25 : vector<1x8xf32> to vector<1x8xi32>
      %get3A_27 = arith.index_cast %sub3A_10 : i32 to index
      %get3A_28 = arith.constant 0 : index
      %get3A_29 = vector.load %arg15[%get3A_27, %get3A_28] : memref<8x256xi32, #tpu.memory_space<vmem>>, vector<1x256xi32>
      %reshape3A = vector.shape_cast %get3A_29 : vector<1x256xi32> to vector<256x1xi32>
      %get3A_30 = arith.index_cast %sub3A_10 : i32 to index
      %get3A_31 = arith.constant 0 : index
      %get3A_32 = vector.load %arg16[%get3A_30, %get3A_31] : memref<8x256xi32, #tpu.memory_space<vmem>>, vector<1x256xi32>
      %reshape3A_33 = vector.shape_cast %get3A_32 : vector<1x256xi32> to vector<256x1xi32>
      %iota3A_34 = tpu.iota {dimensions = array<i32: 1>} : vector<256x8xi32>
      %eq3A_35 = vector.broadcast %reshape3A_33 : vector<256x1xi32> to vector<256x8xi32>
      %eq3A_36 = arith.cmpi eq, %iota3A_34, %eq3A_35 : vector<256x8xi32>
      %convert_element_type3A_37 = arith.extui %eq3A_36 : vector<256x8xi1> to vector<256x8xi32>
      %mul3A_38 = vector.broadcast %convert_element_type3A_26 : vector<1x8xi32> to vector<256x8xi32>
      %mul3A_39 = arith.muli %convert_element_type3A_37, %mul3A_38 : vector<256x8xi32>
      %reduce_sum3A = arith.constant dense<0> : vector<256xi32>
      %reduce_sum3A_40 = vector.multi_reduction <add>, %mul3A_39, %reduce_sum3A [1] : vector<256x8xi32> to vector<256xi32>
      %broadcast_in_dim3A = vector.shape_cast %reduce_sum3A_40 : vector<256xi32> to vector<256x1xi32>
      %add3A_41 = arith.addi %reshape3A, %broadcast_in_dim3A : vector<256x1xi32>
      %reshape3A_42 = vector.shape_cast %add3A_41 : vector<256x1xi32> to vector<1x1x256xi32>
      %swap3A = arith.constant 0 : index
      %swap3A_43 = arith.constant 0 : index
      %swap3A_44 = arith.constant 0 : index
      %swap3A_45 = vector.load %arg11[%swap3A, %swap3A_43, %swap3A_44] : memref<1x1x256xi32, #tpu.memory_space<vmem>>, vector<1x1x256xi32>
      tpu.vector_store %arg11[%swap3A, %swap3A_43, %swap3A_44], %reshape3A_42 {strides = array<i32>} : memref<1x1x256xi32, #tpu.memory_space<vmem>>, vector<1x1x256xi32>,
      %eq3A_46 = arith.constant 15 : i32
      %eq3A_47 = arith.cmpi eq, %arg0, %eq3A_46 : i32
      %convert_element_type3A_48 = arith.extui %eq3A_47 : i1 to i32
      %cond3A_49 = arith.constant 0 : i32
      %cond3A_50 = arith.cmpi ne, %convert_element_type3A_48, %cond3A_49 : i32
      scf.if %cond3A_50 {
        %iota3A_51 = tpu.iota {dimensions = array<i32: 0>} : vector<32x8xi32>
        %convert_element_type3A_52 = arith.fptosi %dot_general3A_22 : vector<1x8xf32> to vector<1x8xi32>
        %broadcast_in_dim3A_53 = vector.shape_cast %convert_element_type3A_52 : vector<1x8xi32> to vector<1x8xi32>
        %broadcast_in_dim3A_54 = vector.broadcast %broadcast_in_dim3A_53 : vector<1x8xi32> to vector<32x8xi32>
        %ge3A_55 = arith.cmpi sge, %iota3A_51, %broadcast_in_dim3A_54 : vector<32x8xi32>
        %convert_element_type3A_56 = arith.extui %ge3A_55 : vector<32x8xi1> to vector<32x8xi32>
        %reduce_sum3A_57 = arith.constant dense<0> : vector<32xi32>
        %reduce_sum3A_58 = vector.multi_reduction <add>, %convert_element_type3A_56, %reduce_sum3A_57 [1] : vector<32x8xi32> to vector<32xi32>
        %broadcast_in_dim3A_59 = vector.shape_cast %reduce_sum3A_58 : vector<32xi32> to vector<32x1xi32>
        %iota3A_60 = tpu.iota {dimensions = array<i32: 0>} : vector<32x1xi32>
        %min3A = arith.constant 7 : i32
        %min3A_61 = vector.broadcast %min3A : i32 to vector<32x1xi32>
        %min3A_62 = arith.minsi %broadcast_in_dim3A_59, %min3A_61 : vector<32x1xi32>
        %reshape3A_63 = vector.shape_cast %min3A_62 : vector<32x1xi32> to vector<1x1x32xi32>
        %swap3A_64 = arith.constant 0 : index
        %swap3A_65 = arith.constant 0 : index
        %swap3A_66 = arith.constant 0 : index
        %swap3A_67 = vector.load %arg12[%swap3A_64, %swap3A_65, %swap3A_66] : memref<1x1x32xi32, #tpu.memory_space<vmem>>, vector<1x1x32xi32>
        tpu.vector_store %arg12[%swap3A_64, %swap3A_65, %swap3A_66], %reshape3A_63 {strides = array<i32>} : memref<1x1x32xi32, #tpu.memory_space<vmem>>, vector<1x1x32xi32>,
        %lt3A_68 = arith.constant 8 : i32
        %lt3A_69 = vector.broadcast %lt3A_68 : i32 to vector<32x1xi32>
        %lt3A_70 = arith.cmpi slt, %broadcast_in_dim3A_59, %lt3A_69 : vector<32x1xi32>
        %jit3A = arith.constant 23 : i32
        %broadcast_in_dim3A_71 = vector.broadcast %jit3A : i32 to vector<32x1xi32>
        %select_n3A = arith.select %lt3A_70, %iota3A_60, %broadcast_in_dim3A_71 : vector<32x1xi1>, vector<32x1xi32>
        %reshape3A_72 = vector.shape_cast %select_n3A : vector<32x1xi32> to vector<1x1x32xi32>
        %swap3A_73 = arith.constant 0 : index
        %swap3A_74 = arith.constant 0 : index
        %swap3A_75 = arith.constant 0 : index
        %swap3A_76 = vector.load %arg13[%swap3A_73, %swap3A_74, %swap3A_75] : memref<1x1x32xi32, #tpu.memory_space<vmem>>, vector<1x1x32xi32>
        tpu.vector_store %arg13[%swap3A_73, %swap3A_74, %swap3A_75], %reshape3A_72 {strides = array<i32>} : memref<1x1x32xi32, #tpu.memory_space<vmem>>, vector<1x1x32xi32>,
      } else {
      }
    } else {
    }
    return
  }
  func.func @transform_0(%arg0: i32) -> (i32, i32) {
    %min3A = arith.constant 7 : i32
    %min3A_0 = arith.minsi %arg0, %min3A : i32
    %c0_i32 = arith.constant 0 : i32
    %c0_i32_1 = arith.constant 0 : i32
    return %min3A_0, %c0_i32 : i32, i32
  }
  func.func @transform_1(%arg0: i32) -> (i32, i32) {
    %min3A = arith.constant 7 : i32
    %min3A_0 = arith.minsi %arg0, %min3A : i32
    %c0_i32 = arith.constant 0 : i32
    %c0_i32_1 = arith.constant 0 : i32
    return %min3A_0, %c0_i32 : i32, i32
  }
  func.func @transform_2(%arg0: i32) -> (i32, i32) {
    %c0_i32 = arith.constant 0 : i32
    %c0_i32_0 = arith.constant 0 : i32
    %c0_i32_1 = arith.constant 0 : i32
    return %c0_i32, %c0_i32_0 : i32, i32
  }
  func.func @transform_3(%arg0: i32) -> (i32, i32) {
    %c0_i32 = arith.constant 0 : i32
    %c0_i32_0 = arith.constant 0 : i32
    %c0_i32_1 = arith.constant 0 : i32
    return %c0_i32, %c0_i32_0 : i32, i32
  }
  func.func @transform_4(%arg0: i32) -> (i32, i32) {
    %c0_i32 = arith.constant 0 : i32
    %c0_i32_0 = arith.constant 0 : i32
    %c0_i32_1 = arith.constant 0 : i32
    return %c0_i32, %c0_i32_0 : i32, i32
  }
  func.func @transform_5(%arg0: i32) -> (i32, i32) {
    %c0_i32 = arith.constant 0 : i32
    %c0_i32_0 = arith.constant 0 : i32
    %c0_i32_1 = arith.constant 0 : i32
    return %c0_i32, %c0_i32_0 : i32, i32
  }
  func.func @transform_6(%arg0: i32) -> (i32, i32) {
    %c0_i32 = arith.constant 0 : i32
    %c0_i32_0 = arith.constant 0 : i32
    %c0_i32_1 = arith.constant 0 : i32
    return %c0_i32, %c0_i32_0 : i32, i32
  }
  func.func @transform_7(%arg0: i32) -> (i32, i32) {
    %c0_i32 = arith.constant 0 : i32
    %c0_i32_0 = arith.constant 0 : i32
    %c0_i32_1 = arith.constant 0 : i32
    return %c0_i32, %c0_i32_0 : i32, i32
  }
  func.func @transform_8(%arg0: i32) -> (i32, i32) {
    %min3A = arith.constant 7 : i32
    %min3A_0 = arith.minsi %arg0, %min3A : i32
    %c0_i32 = arith.constant 0 : i32
    %c0_i32_1 = arith.constant 0 : i32
    return %min3A_0, %c0_i32 : i32, i32
  }
  func.func @transform_9(%arg0: i32) -> (i32, i32) {
    %min3A = arith.constant 7 : i32
    %min3A_0 = arith.minsi %arg0, %min3A : i32
    %c0_i32 = arith.constant 0 : i32
    %c0_i32_1 = arith.constant 0 : i32
    return %min3A_0, %c0_i32 : i32, i32
  }
  func.func @transform_10(%arg0: i32) -> (i32, i32, i32) {
    %sub3A = arith.constant 8 : i32
    %sub3A_0 = arith.subi %arg0, %sub3A : i32
    %max3A = arith.constant 0 : i32
    %max3A_1 = arith.maxsi %sub3A_0, %max3A : i32
    %c0_i32 = arith.constant 0 : i32
    %c0_i32_2 = arith.constant 0 : i32
    %c0_i32_3 = arith.constant 0 : i32
    return %max3A_1, %c0_i32, %c0_i32_2 : i32, i32, i32
  }
  func.func @transform_11(%arg0: i32) -> (i32, i32, i32) {
    %c0_i32 = arith.constant 0 : i32
    %c0_i32_0 = arith.constant 0 : i32
    %c0_i32_1 = arith.constant 0 : i32
    %c0_i32_2 = arith.constant 0 : i32
    return %c0_i32, %c0_i32_0, %c0_i32_1 : i32, i32, i32
  }
  func.func @transform_12(%arg0: i32) -> (i32, i32, i32) {
    %c0_i32 = arith.constant 0 : i32
    %c0_i32_0 = arith.constant 0 : i32
    %c0_i32_1 = arith.constant 0 : i32
    %c0_i32_2 = arith.constant 0 : i32
    return %c0_i32, %c0_i32_0, %c0_i32_1 : i32, i32, i32
  }
}

module attributes {stable_mosaic.version = 14 : i64} {
  func.func @_ffn_body(%arg0: i32, %arg1: memref<32xi32, #tpu.memory_space<smem>>, %arg2: memref<32xi32, #tpu.memory_space<smem>>, %arg3: memref<128x768xf32, #tpu.memory_space<vmem>>, %arg4: memref<1x768x3072xf32, #tpu.memory_space<vmem>>, %arg5: memref<1x1x3072xf32, #tpu.memory_space<vmem>>, %arg6: memref<3072x768xf32, #tpu.memory_space<vmem>>, %arg7: memref<1x768xf32, #tpu.memory_space<vmem>>, %arg8: memref<1x768xf32, #tpu.memory_space<vmem>>, %arg9: memref<1x768xf32, #tpu.memory_space<vmem>>, %arg10: memref<128x768xf32, #tpu.memory_space<vmem>>) attributes {dimension_semantics = [#tpu.dimension_semantics<arbitrary>], iteration_bounds = array<i64: 23>, scalar_prefetch = 2 : i64, scratch_operands = 0 : i64, tpu.core_type = #tpu.core_type<tc>, window_params = [{transform_indices = @transform_0, window_bounds = array<i64: 128, 768>}, {transform_indices = @transform_1, window_bounds = array<i64: 1, 768, 3072>}, {transform_indices = @transform_2, window_bounds = array<i64: 1, 1, 3072>}, {pipeline_mode = #tpu.pipeline_mode<synchronous>, transform_indices = @transform_3, window_bounds = array<i64: 3072, 768>}, {pipeline_mode = #tpu.pipeline_mode<synchronous>, transform_indices = @transform_4, window_bounds = array<i64: 1, 768>}, {pipeline_mode = #tpu.pipeline_mode<synchronous>, transform_indices = @transform_5, window_bounds = array<i64: 1, 768>}, {pipeline_mode = #tpu.pipeline_mode<synchronous>, transform_indices = @transform_6, window_bounds = array<i64: 1, 768>}, {transform_indices = @transform_7, window_bounds = array<i64: 128, 768>}]} {
    %get3A = arith.index_cast %arg0 : i32 to index
    %get3A_0 = memref.load %arg2[%get3A] : memref<32xi32, #tpu.memory_space<smem>>
    %ne3A = arith.constant 23 : i32
    %ne3A_1 = arith.cmpi ne, %get3A_0, %ne3A : i32
    %convert_element_type3A = arith.extui %ne3A_1 : i1 to i32
    %cond3A = arith.constant 0 : i32
    %cond3A_2 = arith.cmpi ne, %convert_element_type3A, %cond3A : i32
    scf.if %cond3A_2 {
      %get3A_3 = arith.constant 0 : index
      %get3A_4 = arith.constant 0 : index
      %get3A_5 = vector.load %arg3[%get3A_3, %get3A_4] : memref<128x768xf32, #tpu.memory_space<vmem>>, vector<128x768xf32>
      %get3A_6 = arith.constant 0 : index
      %get3A_7 = arith.constant 0 : index
      %get3A_8 = arith.constant 0 : index
      %get3A_9 = vector.load %arg4[%get3A_6, %get3A_7, %get3A_8] : memref<1x768x3072xf32, #tpu.memory_space<vmem>>, vector<1x768x3072xf32>
      %get3A_10 = vector.shape_cast %get3A_9 : vector<1x768x3072xf32> to vector<768x3072xf32>
      %dot_general3A = arith.constant dense<0.000000e+00> : vector<128x3072xf32>
      %dot_general3A_11 = tpu.matmul %get3A_5, %get3A_10, %dot_general3A {dimension_numbers = #tpu.dot_dimension_numbers<[1], [0], [0], [1], [0, 0, 1, 1], [], []>, transpose_lhs_hint = false} : vector<128x768xf32>, vector<768x3072xf32>, vector<128x3072xf32> -> vector<128x3072xf32>
      %get3A_12 = arith.constant 0 : index
      %get3A_13 = arith.constant 0 : index
      %get3A_14 = arith.constant 0 : index
      %get3A_15 = vector.load %arg5[%get3A_12, %get3A_13, %get3A_14] : memref<1x1x3072xf32, #tpu.memory_space<vmem>>, vector<1x1x3072xf32>
      %get3A_16 = vector.shape_cast %get3A_15 : vector<1x1x3072xf32> to vector<1x3072xf32>
      %add3A = vector.broadcast %get3A_16 : vector<1x3072xf32> to vector<128x3072xf32>
      %add3A_17 = arith.addf %dot_general3A_11, %add3A : vector<128x3072xf32>
      %integer_pow3A = arith.mulf %add3A_17, %add3A_17 : vector<128x3072xf32>
      %integer_pow3A_18 = arith.mulf %add3A_17, %integer_pow3A : vector<128x3072xf32>
      %mul3A = arith.constant 4.471500e-02 : f32
      %mul3A_19 = vector.broadcast %mul3A : f32 to vector<128x3072xf32>
      %mul3A_20 = arith.mulf %mul3A_19, %integer_pow3A_18 : vector<128x3072xf32>
      %add3A_21 = arith.addf %add3A_17, %mul3A_20 : vector<128x3072xf32>
      %mul3A_22 = arith.constant 0.797884583 : f32
      %mul3A_23 = vector.broadcast %mul3A_22 : f32 to vector<128x3072xf32>
      %mul3A_24 = arith.mulf %mul3A_23, %add3A_21 : vector<128x3072xf32>
      %tanh3A = math.tanh %mul3A_24 : vector<128x3072xf32>
      %add3A_25 = arith.constant 1.000000e+00 : f32
      %add3A_26 = vector.broadcast %add3A_25 : f32 to vector<128x3072xf32>
      %add3A_27 = arith.addf %add3A_26, %tanh3A : vector<128x3072xf32>
      %mul3A_28 = arith.constant 5.000000e-01 : f32
      %mul3A_29 = vector.broadcast %mul3A_28 : f32 to vector<128x3072xf32>
      %mul3A_30 = arith.mulf %mul3A_29, %add3A_27 : vector<128x3072xf32>
      %mul3A_31 = arith.mulf %add3A_17, %mul3A_30 : vector<128x3072xf32>
      %get3A_32 = arith.constant 0 : index
      %get3A_33 = arith.constant 0 : index
      %get3A_34 = vector.load %arg6[%get3A_32, %get3A_33] : memref<3072x768xf32, #tpu.memory_space<vmem>>, vector<3072x768xf32>
      %dot_general3A_35 = arith.constant dense<0.000000e+00> : vector<128x768xf32>
      %dot_general3A_36 = tpu.matmul %mul3A_31, %get3A_34, %dot_general3A_35 {dimension_numbers = #tpu.dot_dimension_numbers<[1], [0], [0], [1], [0, 0, 1, 1], [], []>, transpose_lhs_hint = false} : vector<128x3072xf32>, vector<3072x768xf32>, vector<128x768xf32> -> vector<128x768xf32>
      %get3A_37 = arith.constant 0 : index
      %get3A_38 = arith.constant 0 : index
      %get3A_39 = vector.load %arg7[%get3A_37, %get3A_38] : memref<1x768xf32, #tpu.memory_space<vmem>>, vector<1x768xf32>
      %add3A_40 = vector.broadcast %get3A_39 : vector<1x768xf32> to vector<128x768xf32>
      %add3A_41 = arith.addf %dot_general3A_36, %add3A_40 : vector<128x768xf32>
      %add3A_42 = arith.addf %add3A_41, %get3A_5 : vector<128x768xf32>
      %get3A_43 = arith.constant 0 : index
      %get3A_44 = arith.constant 0 : index
      %get3A_45 = vector.load %arg8[%get3A_43, %get3A_44] : memref<1x768xf32, #tpu.memory_space<vmem>>, vector<1x768xf32>
      %get3A_46 = arith.constant 0 : index
      %get3A_47 = arith.constant 0 : index
      %get3A_48 = vector.load %arg9[%get3A_46, %get3A_47] : memref<1x768xf32, #tpu.memory_space<vmem>>, vector<1x768xf32>
      %reduce_sum3A = arith.constant dense<0.000000e+00> : vector<128xf32>
      %reduce_sum3A_49 = vector.multi_reduction <add>, %add3A_42, %reduce_sum3A [1] : vector<128x768xf32> to vector<128xf32>
      %broadcast_in_dim3A = vector.shape_cast %reduce_sum3A_49 : vector<128xf32> to vector<128x1xf32>
      %div3A = arith.constant 7.680000e+02 : f32
      %div3A_50 = vector.broadcast %div3A : f32 to vector<128x1xf32>
      %div3A_51 = arith.divf %broadcast_in_dim3A, %div3A_50 : vector<128x1xf32>
      %sub3A = vector.broadcast %div3A_51 : vector<128x1xf32> to vector<128x768xf32>
      %sub3A_52 = arith.subf %add3A_42, %sub3A : vector<128x768xf32>
      %integer_pow3A_53 = arith.mulf %sub3A_52, %sub3A_52 : vector<128x768xf32>
      %reduce_sum3A_54 = arith.constant dense<0.000000e+00> : vector<128xf32>
      %reduce_sum3A_55 = vector.multi_reduction <add>, %integer_pow3A_53, %reduce_sum3A_54 [1] : vector<128x768xf32> to vector<128xf32>
      %broadcast_in_dim3A_56 = vector.shape_cast %reduce_sum3A_55 : vector<128xf32> to vector<128x1xf32>
      %div3A_57 = arith.constant 7.680000e+02 : f32
      %div3A_58 = vector.broadcast %div3A_57 : f32 to vector<128x1xf32>
      %div3A_59 = arith.divf %broadcast_in_dim3A_56, %div3A_58 : vector<128x1xf32>
      %sub3A_60 = vector.broadcast %div3A_51 : vector<128x1xf32> to vector<128x768xf32>
      %sub3A_61 = arith.subf %add3A_42, %sub3A_60 : vector<128x768xf32>
      %add3A_62 = arith.constant 9.99999996E-13 : f32
      %add3A_63 = vector.broadcast %add3A_62 : f32 to vector<128x1xf32>
      %add3A_64 = arith.addf %div3A_59, %add3A_63 : vector<128x1xf32>
      %sqrt3A = math.sqrt %add3A_64 : vector<128x1xf32>
      %div3A_65 = vector.broadcast %sqrt3A : vector<128x1xf32> to vector<128x768xf32>
      %div3A_66 = arith.divf %sub3A_61, %div3A_65 : vector<128x768xf32>
      %mul3A_67 = vector.broadcast %get3A_45 : vector<1x768xf32> to vector<128x768xf32>
      %mul3A_68 = arith.mulf %div3A_66, %mul3A_67 : vector<128x768xf32>
      %add3A_69 = vector.broadcast %get3A_48 : vector<1x768xf32> to vector<128x768xf32>
      %add3A_70 = arith.addf %mul3A_68, %add3A_69 : vector<128x768xf32>
      %swap3A = arith.constant 0 : index
      %swap3A_71 = arith.constant 0 : index
      %swap3A_72 = vector.load %arg10[%swap3A, %swap3A_71] : memref<128x768xf32, #tpu.memory_space<vmem>>, vector<128x768xf32>
      tpu.vector_store %arg10[%swap3A, %swap3A_71], %add3A_70 {strides = array<i32>} : memref<128x768xf32, #tpu.memory_space<vmem>>, vector<128x768xf32>,
    } else {
    }
    return
  }
  func.func @transform_0(%arg0: i32, %arg1: memref<32xi32, #tpu.memory_space<smem>>, %arg2: memref<32xi32, #tpu.memory_space<smem>>) -> (i32, i32) {
    %get3A = arith.index_cast %arg0 : i32 to index
    %get3A_0 = memref.load %arg2[%get3A] : memref<32xi32, #tpu.memory_space<smem>>
    %c0_i32 = arith.constant 0 : i32
    %c0_i32_1 = arith.constant 0 : i32
    return %get3A_0, %c0_i32 : i32, i32
  }
  func.func @transform_1(%arg0: i32, %arg1: memref<32xi32, #tpu.memory_space<smem>>, %arg2: memref<32xi32, #tpu.memory_space<smem>>) -> (i32, i32, i32) {
    %get3A = arith.index_cast %arg0 : i32 to index
    %get3A_0 = memref.load %arg1[%get3A] : memref<32xi32, #tpu.memory_space<smem>>
    %c0_i32 = arith.constant 0 : i32
    %c0_i32_1 = arith.constant 0 : i32
    %c0_i32_2 = arith.constant 0 : i32
    return %get3A_0, %c0_i32, %c0_i32_1 : i32, i32, i32
  }
  func.func @transform_2(%arg0: i32, %arg1: memref<32xi32, #tpu.memory_space<smem>>, %arg2: memref<32xi32, #tpu.memory_space<smem>>) -> (i32, i32, i32) {
    %get3A = arith.index_cast %arg0 : i32 to index
    %get3A_0 = memref.load %arg1[%get3A] : memref<32xi32, #tpu.memory_space<smem>>
    %c0_i32 = arith.constant 0 : i32
    %c0_i32_1 = arith.constant 0 : i32
    %c0_i32_2 = arith.constant 0 : i32
    return %get3A_0, %c0_i32, %c0_i32_1 : i32, i32, i32
  }
  func.func @transform_3(%arg0: i32, %arg1: memref<32xi32, #tpu.memory_space<smem>>, %arg2: memref<32xi32, #tpu.memory_space<smem>>) -> (i32, i32) {
    %c0_i32 = arith.constant 0 : i32
    %c0_i32_0 = arith.constant 0 : i32
    %c0_i32_1 = arith.constant 0 : i32
    return %c0_i32, %c0_i32_0 : i32, i32
  }
  func.func @transform_4(%arg0: i32, %arg1: memref<32xi32, #tpu.memory_space<smem>>, %arg2: memref<32xi32, #tpu.memory_space<smem>>) -> (i32, i32) {
    %c0_i32 = arith.constant 0 : i32
    %c0_i32_0 = arith.constant 0 : i32
    %c0_i32_1 = arith.constant 0 : i32
    return %c0_i32, %c0_i32_0 : i32, i32
  }
  func.func @transform_5(%arg0: i32, %arg1: memref<32xi32, #tpu.memory_space<smem>>, %arg2: memref<32xi32, #tpu.memory_space<smem>>) -> (i32, i32) {
    %c0_i32 = arith.constant 0 : i32
    %c0_i32_0 = arith.constant 0 : i32
    %c0_i32_1 = arith.constant 0 : i32
    return %c0_i32, %c0_i32_0 : i32, i32
  }
  func.func @transform_6(%arg0: i32, %arg1: memref<32xi32, #tpu.memory_space<smem>>, %arg2: memref<32xi32, #tpu.memory_space<smem>>) -> (i32, i32) {
    %c0_i32 = arith.constant 0 : i32
    %c0_i32_0 = arith.constant 0 : i32
    %c0_i32_1 = arith.constant 0 : i32
    return %c0_i32, %c0_i32_0 : i32, i32
  }
  func.func @transform_7(%arg0: i32, %arg1: memref<32xi32, #tpu.memory_space<smem>>, %arg2: memref<32xi32, #tpu.memory_space<smem>>) -> (i32, i32) {
    %get3A = arith.index_cast %arg0 : i32 to index
    %get3A_0 = memref.load %arg2[%get3A] : memref<32xi32, #tpu.memory_space<smem>>
    %c0_i32 = arith.constant 0 : i32
    %c0_i32_1 = arith.constant 0 : i32
    return %get3A_0, %c0_i32 : i32, i32
  }
}

</mosaic_0001>

<sc_bundles>
// kernel: kernel.11.cloned.1.call-start
scs
__scs_entry_jumppad:
0x0: {  	(pc) =	sbr.rel $0x88, $3  }
0x1: {  	(tag) =	ssettag $0x0;
	lr =	simm.s32 $0x1  }
0x2: {  	[smem:$0x3F8D] =	sst lr;
	_ =	strace $0xD0000000  }
0x3: {  	_ = 	snop  }
0x4: {  	_ = 	snop  }
0x5: {  	_ = 	snop  }
0x6: {  	_ = 	snop  }
0x7: {  	_ = 	snop  }
__scs_overlays_trampoline_lowered:
0x8: {  	[smem:$0x3F9C] =	sst s0  }
0x9: {  	[smem:$0x3F9D] =	sst s1  }
0xa: {  	[smem:$0x3F9E] =	sst s2  }
0xb: {  	[smem:$0x3F9F] =	sst s3  }
0xc: {  	[smem:$0x3FA0] =	sst s4  }
0xd: {  	[smem:$0x3FA1] =	sst s5  }
0xe: {  	[smem:$0x3FA2] =	sst s6  }
0xf: {  	[smem:$0x3FA3] =	sst s7  }
0x10: {  	[smem:$0x3FA4] =	sst s8  }
0x11: {  	[smem:$0x3FA5] =	sst s9;
	s0 =	simm.s32 @!p0 $0x0  }
0x12: {  	s1 =	sld [smem:$0x3F8B];
	s0 =	simm.s32 @p0 $0x1  }
0x13: {  	[smem:$0x3FA6] =	sst s0;
	s0 =	simm.s32 @!p1 $0x0  }
0x14: {  	s2 =	sld [smem:$0x3F8A];
	s0 =	simm.s32 @p1 $0x1  }
0x15: {  	[smem:$0x3FA7] =	sst s0;
	s0 =	simm.s32 @!p2 $0x0  }
0x16: {  	s3 =	sld [smem:$0x3FDB];
	s0 =	simm.s32 @p2 $0x1  }
0x17: {  	s4 =	simm.s32 $0x1BF5;
	[smem:$0x3FA9] =	sst s0  }
0x18: {  	s0 =	sld [smem:$0x3F8C];
	_ =	swait.ge [sflag:s4], $0x0  }
0x19: {  	s7 =	sld [smem:$0x3F8D]  }
0x1a: {  	s8 =	sadd.s32 $0xFFFFE003, lr  }
0x1b: {  	s9 =	sadd.s32 $0xFFFFFEF7, lr;
	s5 =	simm.s32 $0xFFFFFFFF;
	p2 =	slt.u32 s8, $0xFFFFF086  }
0x1c: {  	p1 =	slt.u32 s9, $0xF7A;
	s5 =	simm.s32 @!p2 $0x0  }
0x1d: {  	s5 =	simm.s32 @p1 $0x1;
	p0 =	seq.s32 s7, s2  }
0x1e: {  	s7 =	smul.u32 @!p0 $0xF7A, s2;
	p2 =	seq.s32 @!p0 s5, $0x0  }
0x1f: {  	s9 =	smul.u32 $0xF7A, s1;
	s8 =	simm.s32 @!p0 $0x1BF5;
	p2 =	por !p2, p0  }
0x20: {  	[sflag:s8] =	ssyncset.s32 @!p0 $0xFFFFF086;
	s6 =	sadd.s32 @!p0 s3, s7;
	s7 =	simm.s32 @!p0 $0x108  }
0x21: {  	s3 =	sadd.s32 s3, s9;
	s6 =	sadd.s32 @!p0 $0x88, s6;
	s7 =	simm.s32 @p2 $0x1082  }
0x22: {  	[simem:s7], [sflag:s8] =	dma.local @!p0 [hbm:s6], $0xF7A  }
0x23: {  	s9 =	sor.u32 $0xD0000000, s2;
	s6 =	simm.s32 $0x108;
	_ =	swait.ge @!p0 [sflag:s8], $0x0  }
0x24: {  	s3 =	sadd.s32 $0x88, s3;
	s6 =	simm.s32 @!p1 $0x1082;
	[sflag:s4] =	ssyncset.s32 $0xFFFFF086  }
0x25: {  	[simem:s6], [sflag:s4] =	dma.local [hbm:s3], $0xF7A  }
0x26: {  	[smem:$0x3F8D] =	sst s1;
	(tag) =	ssettag s2;
	_ =	strace s9  }
0x27: {  	s1 =	sld [smem:$0x3F9D]  }
0x28: {  	s2 =	sld [smem:$0x3F9E]  }
0x29: {  	s4 =	sld [smem:$0x3FA0]  }
0x2a: {  	p0 =	seq.s32 s5, $0x0;
	s5 =	sld [smem:$0x3FA1]  }
0x2b: {  	s6 =	sld [smem:$0x3FA2]  }
0x2c: {  	s7 =	sld [smem:$0x3FA3]  }
0x2d: {  	s3 =	simm.s32 $0x108;
	s8 =	sld [smem:$0x3FA4]  }
0x2e: {  	s3 =	simm.s32 @!p0 $0x1082;
	s9 =	sld [smem:$0x3FA5]  }
0x2f: {  	lr =	sadd.s32 s0, s3;
	s0 =	sld [smem:$0x3F9C]  }
0x30: {  	s3 =	sld [smem:$0x3F9F]  }
0x31: {  	[smem:$0x3FA8] =	sst s10  }
0x32: {  	s10 =	sld [smem:$0x3FA6];
	_ =	sdelay $0x3  }
0x33: {  	p0 =	seq.s32 s10, $0x1;
	s10 =	sld [smem:$0x3FA8];
	_ =	sdelay $0x3  }
0x34: {  	[smem:$0x3FA8] =	sst s10  }
0x35: {  	s10 =	sld [smem:$0x3FA7];
	_ =	sdelay $0x3  }
0x36: {  	p1 =	seq.s32 s10, $0x1;
	s10 =	sld [smem:$0x3FA8];
	_ =	sdelay $0x3  }
0x37: {  	[smem:$0x3FA8] =	sst s10  }
0x38: {  	s10 =	sld [smem:$0x3FA9]  }
0x39: {  	_ = 	snop;
	(pc) =	sbr.ind lr, $3  }
0x3a: {  	_ = 	snop  }
0x3b: {  	_ = 	snop  }
0x3c: {  	p2 =	seq.s32 s10, $0x1;
	s10 =	sld [smem:$0x3FA8]  }
0x3d: {  	_ =	shalt  }
0x3e: {  	_ =	shalt  }
0x3f: {  	_ =	shalt  }
0x40: {  	_ =	shalt  }
0x41: {  	_ =	shalt  }
0x42: {  	_ =	shalt  }
0x43: {  	_ =	shalt  }
0x44: {  	_ =	shalt  }
0x45: {  	_ =	shalt  }
0x46: {  	_ =	shalt  }
0x47: {  	_ =	shalt  }
0x48: {  	_ =	shalt  }
0x49: {  	_ =	shalt  }
0x4a: {  	_ =	shalt  }
0x4b: {  	_ =	shalt  }
0x4c: {  	_ =	shalt  }
0x4d: {  	_ =	shalt  }
0x4e: {  	_ =	shalt  }
0x4f: {  	_ =	shalt  }
0x50: {  	_ =	shalt  }
0x51: {  	_ =	shalt  }
0x52: {  	_ =	shalt  }
0x53: {  	_ =	shalt  }
0x54: {  	_ =	shalt  }
0x55: {  	_ =	shalt  }
0x56: {  	_ =	shalt  }
0x57: {  	_ =	shalt  }
0x58: {  	_ =	shalt  }
0x59: {  	_ =	shalt  }
0x5a: {  	_ =	shalt  }
0x5b: {  	_ =	shalt  }
0x5c: {  	_ =	shalt  }
0x5d: {  	_ =	shalt  }
0x5e: {  	_ =	shalt  }
0x5f: {  	_ =	shalt  }
0x60: {  	_ =	shalt  }
0x61: {  	_ =	shalt  }
0x62: {  	_ =	shalt  }
0x63: {  	_ =	shalt  }
0x64: {  	_ =	shalt  }
0x65: {  	_ =	shalt  }
0x66: {  	_ =	shalt  }
0x67: {  	_ =	shalt  }
0x68: {  	_ =	shalt  }
0x69: {  	_ =	shalt  }
0x6a: {  	_ =	shalt  }
0x6b: {  	_ =	shalt  }
0x6c: {  	_ =	shalt  }
0x6d: {  	_ =	shalt  }
0x6e: {  	_ =	shalt  }
0x6f: {  	_ =	shalt  }
0x70: {  	_ =	shalt  }
0x71: {  	_ =	shalt  }
0x72: {  	_ =	shalt  }
0x73: {  	_ =	shalt  }
0x74: {  	_ =	shalt  }
0x75: {  	_ =	shalt  }
0x76: {  	_ =	shalt  }
0x77: {  	_ =	shalt  }
0x78: {  	_ =	shalt  }
0x79: {  	_ =	shalt  }
0x7a: {  	_ =	shalt  }
0x7b: {  	_ =	shalt  }
0x7c: {  	_ =	shalt  }
0x7d: {  	_ =	shalt  }
0x7e: {  	_ =	shalt  }
0x7f: {  	_ =	shalt  }
0x80: {  	_ =	shalt  }
0x81: {  	_ =	shalt  }
0x82: {  	_ =	shalt  }
0x83: {  	_ =	shalt  }
0x84: {  	_ =	shalt  }
0x85: {  	_ =	shalt  }
0x86: {  	_ =	shalt  }
0x87: {  	_ =	shalt  }
.Lfunc_end0:
.L_simem_size_0:
called_computation.1_lowered:
.L_overlay_start_0:
0x88: {  	s2 =	sld [smem:$0x3FD9]  }
0x89: {  	s3 =	sld [smem:$0x3FFE];
	_ =	sdelay $0x1  }
0x8a: {  	s1 =	srdreg.scid  }
0x8b: {  	s0 =	sand.u32 $0x1, s1  }
0x8c: {  	s14 =	sshll.u32 s0, $0xA;
	s2 =	sadd.s32 s3, s2  }
0x8d: {  	s2 =	sadd.s32 s2, s14  }
0x8e: {  	[smem:$0x3FB4] =	sst s2  }
0x8f: {  	_ = 	snop  }
0x90: {  	s2 =	sld [smem:$0x3FD0];
	_ =	sdelay $0x2  }
0x91: {  	s15 =	simm.s32 $0xA;
	s4 =	simm.s32 $0x10  }
0x92: {  	[smem:s4], [sflag:s15] =	dma.local [hbm:s2], $0x1  }
0x93: {  	_ =	swait.eq [sflag:s15], $0x1  }
0x94: {  	[sflag:s15] =	ssyncset.done $0x0  }
0x95: {  	[sflag:s15] =	ssyncadd.s32 $0xFFFFFFFF  }
0x96: {  	s16 =	sld [smem:$0x10];
	(tm) =	ssettm $0x1  }
0x97: {  	s17 =	sld [smem:$0x3FFB];
	_ =	sdelay $0x3  }
0x98: {  	_ =	strace s17  }
0x99: {  	s3 =	sld [smem:$0x3FFC];
	_ =	sdelay $0x3  }
0x9a: {  	_ =	strace s3  }
0x9b: {  	s3 =	sld [smem:$0x3FFD];
	_ =	sdelay $0x3  }
0x9c: {  	_ =	strace s3  }
0x9d: {  	_ =	strace $0x8FFFFFFF  }
0x9e: {  	s18 =	sld [smem:$0x3FDB];
	_ =	sdelay $0x1  }
0x9f: {  	s19 =	simm.s32 $_scs_section_size  }
0xa0: {  	s5 =	simm.s32 $_size__tile_overlayer_lowered;
	s6 =	simm.s32 $_tile_overlayer_lowered  }
0xa1: {  	s22 =	simm.s32 $0x1BFF;
	s21 =	sshll.u32 s6, $0x1;
	s3 =	sadd.s32 s19, s18  }
0xa2: {  	s7 =	simm.s32 $0x0;
	s20 =	sshll.u32 s5, $0x1;
	s5 =	sadd.s32 s21, s3  }
0xa3: {  	[timem:s7], [sflag:s22] =	dma.local [hbm:s5], s20  }
0xa4: {  	_ =	swait.ge [sflag:s22], s20  }
0xa5: {  	s4 =	ssub.s32 $0x0, s20;
	[sflag:s22] =	ssyncset.done $0x0  }
0xa6: {  	[sflag:s22] =	ssyncadd.s32 s4;
	_ =	sdelay $0x1  }
0xa7: {  	s23 =	simm.s32 $0x1B8B  }
0xa8: {  	_ =	swait.ge [sflag:s23], $0x1  }
0xa9: {  	[sflag:s23] =	ssyncset.done $0x0  }
0xaa: {  	s25 =	simm.s32 $0x1B8E;
	s24 =	sld [smem:$0x3FFE];
	[sflag:s23] =	ssyncadd.s32 $0xFFFFFFFF  }
0xab: {  	s26 =	simm.s32 $execute0_lowered;
	[smem:$0x3FD2] =	sst s25  }
0xac: {  	s5 =	sshll.u32 s26, $0x1;
	_ =	strace $0x80000049;
	[dreg:$0x1] =	wrdreg $0xFFFFFFFF  }
0xad: {  	s28 =	simm.s32 $_size_execute0_lowered;
	s3 =	sadd.s32 s3, s5;
	[dreg:$0x0] =	wrdreg $0x0  }
0xae: {  	s5 =	sshll.u32 s28, $0x1;
	[dreg:$0x2] =	wrdreg s3  }
0xaf: {  	[dreg:$0x3] =	wrdreg s5  }
0xb0: {  	[dreg:$0x4] =	wrdreg $0xC0  }
0xb1: {  	_ =	task [dreg:s7], $0x5FFFF  }
0xb2: {  	[dreg:$0x1] =	wrdreg $0xFFFFFFFF  }
0xb3: {  	[dreg:$0x0] =	wrdreg $0x60  }
0xb4: {  	[dreg:$0x2] =	wrdreg s24  }
0xb5: {  	[dreg:$0x3] =	wrdreg s16  }
0xb6: {  	[dreg:$0x4] =	wrdreg $0x9  }
0xb7: {  	_ =	task.clear_ibuf [dreg:s7], $0x5FFFF;
	_ =	strace $0x90000049  }
0xb8: {  	s29 =	simm.s32 $0x9;
	_ =	strace $0x8000004B  }
0xb9: {  	_ =	swait.ge [sflag:s29], $0x1  }
0xba: {  	[sflag:s29] =	ssyncadd.s32 $0xFFFFFFFF  }
0xbb: {  	_ =	strace $0x9000004B  }
0xbc: {  	_ =	sfence  }
0xbd: {  	s30 =	sld [smem:$0x0];
	_ =	sdelay $0x2  }
0xbe: {  	s31 =	sshll.u32 s1, $0xD;
	s1 =	sshrl.u32 s1, $0x2  }
0xbf: {  	s3 =	sand.u32 $0x4000, s31;
	s1 =	sadd.s32 s1, s30  }
0xc0: {  	s0 =	sor.u32 s3, s0;
	s1 =	sshll.u32 s1, $0x11  }
0xc1: {  	s0 =	sor.u32 s1, s0  }
0xc2: {  	s0 =	sadd.s32 $0x8F2B, s0  }
0xc3: {  	[sflag:s0] =	ssyncadd.remote.s32 $0x1  }
0xc4: {  	_ =	sfence.sel $0xFFFF  }
0xc5: {  	[dreg:$0x0] =	wrdreg $0xFFFFFFFF;
	(pc) =	sbr.abs _section_cstart, $3  }
0xc6: {  	[dreg:$0x1] =	wrdreg $0xFFFFFFFF  }
0xc7: {  	_ =	task.clear_ibuf [dreg:s7], $0x2FFFF;
	_ =	strace $0x9FFFFFFF  }
0xc8: {  	(tm) =	ssettm $0x7FFFFFFF  }
0xc9: {  	_ =	shalt  }
tec
execute0_lowered:
.L_overlay_start_1:
0x0: {  	(tag) =	ssettag $0x1  }
0x1: {  	s0 =	rddreg [dreg:$0x0]  }
0x2: {  	s5 =	rddreg [dreg:$0x1];
	s3 =	srdreg.scid  }
0x3: {  	s2 =	simm.s32 $0x0;
	s1 =	stileid.u32;
	s26 =	simm.s32 $0x880  }
0x4: {  	s10 =	simm.s32 $0x1880;
	s11 =	simm.s32 $0x2080;
	s12 =	simm.s32 $0x2880  }
0x5: {  	s13 =	simm.s32 $0x3080;
	s14 =	simm.s32 $0x3880;
	s15 =	simm.s32 $0x4080  }
0x6: {  	s16 =	simm.s32 $0x4880;
	s17 =	simm.s32 $0x5080;
	s18 =	simm.s32 $0x5880  }
0x7: {  	s19 =	simm.s32 $0x6080;
	s20 =	simm.s32 $0x6880;
	s21 =	simm.s32 $0x7080  }
0x8: {  	s22 =	simm.s32 $0x7880;
	s28 =	simm.s32 $0xA080;
	s29 =	simm.s32 $0xA880  }
0x9: {  	s30 =	simm.s32 $0xB080;
	s31 =	simm.s32 $0xB880;
	s3 =	sand.u32 $0x1, s3  }
0xa: {  	[smem:$0x7FF] =	sst s2;
	s4 =	sshll.u32 s1, $0x4;
	s6 =	sshll.u32 s3, $0x3  }
0xb: {  	_ =	strace $0x8000004A;
	s23 =	ssub.s32 $0x2, s3;
	s3 =	sadd.s32 $0x3200, s0  }
0xc: {  	[dreg:$0x5] =	wrdreg s26;
	s26 =	simm.s32 $0x9880;
	s4 =	sor.u32 s6, s4  }
0xd: {  	s8 =	sshrl.u32 s23, $0x1;
	s7 =	sadd.s32 s4, s0;
	s9 =	smul.u32 $0x300, s4  }
0xe: {  	s6 =	ssub.s32 s23, s8;
	s4 =	sadd.s32 $0x3300, s0;
	s8 =	simm.s32 $0x80  }
0xf: {  	s23 =	simm.s32 $0x8080;
	s24 =	sadd.s32 $0x3000, s7;
	s6 =	smax.u32 s6, $0x1  }
0x10: {  	v2 =	vlaneseq.u32;
	s7 =	simm.s32 $0x2;
	[dreg:$0x3] =	wrdreg s24;
	s25 =	sadd.s32 s5, s9  }
0x11: {  	vm0 =	vmmov $0xffff;
	v1 =	vshrl.u32 v2, $0x3;
	s5 =	sadd.s32 $0x3400, s0;
	s9 =	simm.s32 $0x1080;
	s24 =	simm.s32 $0x8880  }
0x12: {  	v0 =	vand.u32 $0x7, v2;
	v2 =	vor.u32 $0x8, v2;
	v1 =	vmul.u32 $0x8, v1;
	s0 =	simm.s32 $0x1;
	[dreg:$0x4] =	wrdreg s25;
	s25 =	simm.s32 $0x9080  }
.LBB2_1:
0x13: {  	s1 =	rddreg [dreg:$0x3]  }
0x14: {  	[tilespmem:s2], [sflag:$0x2] =	stream.linear.gather [hbm4b:s1+s2], $0x40, $0x38;
	[tilespmem:$0xC080] =	vst v63  }
0x15: {  	_ =	swait.ge [sflag:s7], $0x40  }
0x16: {  	[sflag:s7] =	ssyncset.done $0x0  }
0x17: {  	[sflag:s7] =	ssyncadd.s32 $0xFFFFFFC0  }
0x18: {  	v3 =	vld [tilespmem:$0x0];
	_ =	sdelay $0x4  }
0x19: {  	v4 =	vshrl.u32 v3, $0x3  }
0x1a: {  	v4 =	vmul.u32 $0x30, v4  }
0x1b: {  	v3 =	vand.u32 $0x7, v3  }
0x1c: {  	v3 =	vor.u32 v3, v4  }
0x1d: {  	v4 =	vperm.xlane v3, v0;
	_ =	sdelay $0x1  }
0x1e: {  	v4 =	vadd.s32 v1, v4;
	_ =	sdelay $0x3  }
0x1f: {  	v3 =	vperm.xlane v3, v2  }
0x20: {  	[tilespmem:s8], [sflag:$0x1] =	stream.indirect_vreg.gather [hbm4b:s3+s2], $0x80, v4, vm0, $0xb8;
	[tilespmem:$0xC080] =	vst v63  }
0x21: {  	s1 =	rddreg [dreg:$0x5];
	v3 =	vadd.s32 v1, v3  }
0x22: {  	[tilespmem:s1], [sflag:$0x1] =	stream.indirect_vreg.gather [hbm4b:s4+s2], $0x80, v4, vm0, $0xb8;
	[tilespmem:$0xC080] =	vst v63  }
0x23: {  	_ = 	snop  }
0x24: {  	[tilespmem:s9], [sflag:$0x1] =	stream.indirect_vreg.gather [hbm4b:s5+s2], $0x80, v4, vm0, $0xb8;
	[tilespmem:$0xC080] =	vst v63  }
0x25: {  	_ = 	snop  }
0x26: {  	[tilespmem:s10], [sflag:$0x1] =	stream.indirect_vreg.gather [hbm4b:s3+s2], $0x80, v3, vm0, $0xb8;
	[tilespmem:$0xC080] =	vst v63  }
0x27: {  	_ = 	snop  }
0x28: {  	[tilespmem:s11], [sflag:$0x1] =	stream.indirect_vreg.gather [hbm4b:s4+s2], $0x80, v3, vm0, $0xb8;
	[tilespmem:$0xC080] =	vst v63  }
0x29: {  	_ = 	snop  }
0x2a: {  	[tilespmem:s12], [sflag:$0x1] =	stream.indirect_vreg.gather [hbm4b:s5+s2], $0x80, v3, vm0, $0xb8;
	[tilespmem:$0xC080] =	vst v63  }
0x2b: {  	v3 =	vld [tilespmem:$0x10];
	_ =	sdelay $0x4  }
0x2c: {  	v61 =	vshrl.u32 v3, $0x3  }
0x2d: {  	v4 =	vmul.u32 $0x30, v61  }
0x2e: {  	v3 =	vand.u32 $0x7, v3  }
0x2f: {  	v3 =	vor.u32 v3, v4  }
0x30: {  	v4 =	vperm.xlane v3, v0;
	_ =	sdelay $0x1  }
0x31: {  	v4 =	vadd.s32 v1, v4;
	_ =	sdelay $0x3  }
0x32: {  	v3 =	vperm.xlane v3, v2  }
0x33: {  	[tilespmem:s13], [sflag:$0x1] =	stream.indirect_vreg.gather [hbm4b:s3+s2], $0x80, v4, vm0, $0xb8;
	[tilespmem:$0xC080] =	vst v63  }
0x34: {  	v3 =	vadd.s32 v1, v3  }
0x35: {  	[tilespmem:s14], [sflag:$0x1] =	stream.indirect_vreg.gather [hbm4b:s4+s2], $0x80, v4, vm0, $0xb8;
	[tilespmem:$0xC080] =	vst v63  }
0x36: {  	_ = 	snop  }
0x37: {  	[tilespmem:s15], [sflag:$0x1] =	stream.indirect_vreg.gather [hbm4b:s5+s2], $0x80, v4, vm0, $0xb8;
	[tilespmem:$0xC080] =	vst v63  }
0x38: {  	_ = 	snop  }
0x39: {  	[tilespmem:s16], [sflag:$0x1] =	stream.indirect_vreg.gather [hbm4b:s3+s2], $0x80, v3, vm0, $0xb8;
	[tilespmem:$0xC080] =	vst v63  }
0x3a: {  	_ = 	snop  }
0x3b: {  	[tilespmem:s17], [sflag:$0x1] =	stream.indirect_vreg.gather [hbm4b:s4+s2], $0x80, v3, vm0, $0xb8;
	[tilespmem:$0xC080] =	vst v63  }
0x3c: {  	_ = 	snop  }
0x3d: {  	[tilespmem:s18], [sflag:$0x1] =	stream.indirect_vreg.gather [hbm4b:s5+s2], $0x80, v3, vm0, $0xb8;
	[tilespmem:$0xC080] =	vst v63  }
0x3e: {  	v3 =	vld [tilespmem:$0x20];
	_ =	sdelay $0x4  }
0x3f: {  	v62 =	vshrl.u32 v3, $0x3  }
0x40: {  	v4 =	vmul.u32 $0x30, v62  }
0x41: {  	v3 =	vand.u32 $0x7, v3  }
0x42: {  	v3 =	vor.u32 v3, v4  }
0x43: {  	v4 =	vperm.xlane v3, v0;
	_ =	sdelay $0x1  }
0x44: {  	v4 =	vadd.s32 v1, v4;
	_ =	sdelay $0x3  }
0x45: {  	v3 =	vperm.xlane v3, v2  }
0x46: {  	[tilespmem:s19], [sflag:$0x1] =	stream.indirect_vreg.gather [hbm4b:s3+s2], $0x80, v4, vm0, $0xb8;
	[tilespmem:$0xC080] =	vst v63  }
0x47: {  	v3 =	vadd.s32 v1, v3  }
0x48: {  	[tilespmem:s20], [sflag:$0x1] =	stream.indirect_vreg.gather [hbm4b:s4+s2], $0x80, v4, vm0, $0xb8;
	[tilespmem:$0xC080] =	vst v63  }
0x49: {  	_ = 	snop  }
0x4a: {  	[tilespmem:s21], [sflag:$0x1] =	stream.indirect_vreg.gather [hbm4b:s5+s2], $0x80, v4, vm0, $0xb8;
	[tilespmem:$0xC080] =	vst v63  }
0x4b: {  	_ = 	snop  }
0x4c: {  	[tilespmem:s22], [sflag:$0x1] =	stream.indirect_vreg.gather [hbm4b:s3+s2], $0x80, v3, vm0, $0xb8;
	[tilespmem:$0xC080] =	vst v63  }
0x4d: {  	_ = 	snop  }
0x4e: {  	[tilespmem:s23], [sflag:$0x1] =	stream.indirect_vreg.gather [hbm4b:s4+s2], $0x80, v3, vm0, $0xb8;
	[tilespmem:$0xC080] =	vst v63  }
0x4f: {  	_ = 	snop  }
0x50: {  	[tilespmem:s24], [sflag:$0x1] =	stream.indirect_vreg.gather [hbm4b:s5+s2], $0x80, v3, vm0, $0xb8;
	[tilespmem:$0xC080] =	vst v63  }
0x51: {  	v3 =	vld [tilespmem:$0x30];
	_ =	sdelay $0x4  }
0x52: {  	v63 =	vshrl.u32 v3, $0x3  }
0x53: {  	v4 =	vmul.u32 $0x30, v63  }
0x54: {  	v3 =	vand.u32 $0x7, v3  }
0x55: {  	v3 =	vor.u32 v3, v4  }
0x56: {  	v4 =	vperm.xlane v3, v0;
	_ =	sdelay $0x1  }
0x57: {  	v4 =	vadd.s32 v1, v4;
	_ =	sdelay $0x3  }
0x58: {  	v3 =	vperm.xlane v3, v2  }
0x59: {  	[tilespmem:s25], [sflag:$0x1] =	stream.indirect_vreg.gather [hbm4b:s3+s2], $0x80, v4, vm0, $0xb8;
	[tilespmem:$0xC080] =	vst v63  }
0x5a: {  	v3 =	vadd.s32 v1, v3  }
0x5b: {  	[tilespmem:s26], [sflag:$0x1] =	stream.indirect_vreg.gather [hbm4b:s4+s2], $0x80, v4, vm0, $0xb8;
	[tilespmem:$0xC080] =	vst v63  }
0x5c: {  	_ = 	snop  }
0x5d: {  	[tilespmem:s28], [sflag:$0x1] =	stream.indirect_vreg.gather [hbm4b:s5+s2], $0x80, v4, vm0, $0xb8;
	[tilespmem:$0xC080] =	vst v63  }
0x5e: {  	_ = 	snop  }
0x5f: {  	[tilespmem:s29], [sflag:$0x1] =	stream.indirect_vreg.gather [hbm4b:s3+s2], $0x80, v3, vm0, $0xb8;
	[tilespmem:$0xC080] =	vst v63  }
0x60: {  	_ = 	snop  }
0x61: {  	[tilespmem:s30], [sflag:$0x1] =	stream.indirect_vreg.gather [hbm4b:s4+s2], $0x80, v3, vm0, $0xb8;
	[tilespmem:$0xC080] =	vst v63  }
0x62: {  	_ = 	snop  }
0x63: {  	[tilespmem:s31], [sflag:$0x1] =	stream.indirect_vreg.gather [hbm4b:s5+s2], $0x80, v3, vm0, $0xb8;
	[tilespmem:$0xC080] =	vst v63  }
0x64: {  	_ =	swait.ge [sflag:s0], $0xC000  }
0x65: {  	p0 =	sne.s32 s6, $0x1;
	[sflag:s0] =	ssyncset.done $0x0  }
.Ltmp0:
0x66: {  	s1 =	rddreg [dreg:$0x4];
	[sflag:s0] =	ssyncadd.s32 $0xFFFF4000;
	(pc) =	sbr.rel @p0 .LBB2_1-.Ltmp0, $4  }
0x67: {  	[hbm4b:s1+s2] =	stream.linear.scatter [tilespmem:s8], [sflag:$0x2], $0xC000, $0x38;
	[tilespmem:$0xC080] =	vst v63  }
0x68: {  	_ =	swait.ge [sflag:s7], $0xC000  }
0x69: {  	[sflag:s7] =	ssyncset.done $0x0  }
0x6a: {  	s6 =	sadd.s32 $0xFFFFFFFF, s6;
	[sflag:s7] =	ssyncadd.s32 $0xFFFF4000  }
0x6b: {  	_ =	sfence.sel $0x180000  }
0x6c: {  	[bflag:$0x0] =	sbarrier.arrive $0xFFFF  }
0x6d: {  	_ =	strace $0x9000004A  }
0x6e: {  	s0 =	stileid.u32;
	[bflag:$0x2] =	sbarrier.arrive $0xFFFF  }
0x6f: {  	p0 =	sne.s32 s0, $0x0;
	s0 =	rddreg [dreg:$0x2]  }
0x70: {  	s0 =	sadd.s32 @!p0 $0x100000, s0  }
0x71: {  	[sflag:s0] =	ssyncadd.tile.s32 @!p0 $0x1;
	_ =	shalt  }
.Lfunc_end2:
_tile_overlayer_lowered:
.L_overlay_start_2:
0x72: {  	(tag) =	ssettag $0x2  }
0x73: {  	s0 =	rddreg [dreg:$0x0];
	s2 =	stileid.u32  }
0x74: {  	s1 =	rddreg [dreg:$0x1];
	p0 =	sne.s32 s2, $0x0  }
0x75: {  	s3 =	rddreg [dreg:$0x2];
	[bflag:$0x3] =	sbarrier.arrive $0xFFFF;
	s2 =	simm.s32 @!p0 $0x1C02  }
0x76: {  	[timem:s3], [sflag:s2] =	dma.local @!p0 [hbm:s0], s1  }
0x77: {  	s0 =	simm.s32 @!p0 $0x2  }
0x78: {  	_ =	swait.ge @!p0 [sflag:s0], s1  }
0x79: {  	s1 =	ssub.s32 @!p0 $0x0, s1;
	[sflag:s0] =	ssyncset.done @!p0 $0x0  }
0x7a: {  	[sflag:s0] =	ssyncadd.s32 @!p0 s1  }
0x7b: {  	[bflag:$0x3] =	sbarrier.arrive $0xFFFF  }
0x7c: {  	_ =	shalt  }

// kernel: kernel.8.cloned.1.call-start
scs
__scs_entry_jumppad:
0x0: {  	(pc) =	sbr.rel $0x88, $3  }
0x1: {  	(tag) =	ssettag $0x0;
	lr =	simm.s32 $0x1  }
0x2: {  	[smem:$0x3F8D] =	sst lr;
	_ =	strace $0xD0000000  }
0x3: {  	_ = 	snop  }
0x4: {  	_ = 	snop  }
0x5: {  	_ = 	snop  }
0x6: {  	_ = 	snop  }
0x7: {  	_ = 	snop  }
__scs_overlays_trampoline_lowered:
0x8: {  	[smem:$0x3F9C] =	sst s0  }
0x9: {  	[smem:$0x3F9D] =	sst s1  }
0xa: {  	[smem:$0x3F9E] =	sst s2  }
0xb: {  	[smem:$0x3F9F] =	sst s3  }
0xc: {  	[smem:$0x3FA0] =	sst s4  }
0xd: {  	[smem:$0x3FA1] =	sst s5  }
0xe: {  	[smem:$0x3FA2] =	sst s6  }
0xf: {  	[smem:$0x3FA3] =	sst s7  }
0x10: {  	[smem:$0x3FA4] =	sst s8  }
0x11: {  	[smem:$0x3FA5] =	sst s9;
	s0 =	simm.s32 @!p0 $0x0  }
0x12: {  	s1 =	sld [smem:$0x3F8B];
	s0 =	simm.s32 @p0 $0x1  }
0x13: {  	[smem:$0x3FA6] =	sst s0;
	s0 =	simm.s32 @!p1 $0x0  }
0x14: {  	s2 =	sld [smem:$0x3F8A];
	s0 =	simm.s32 @p1 $0x1  }
0x15: {  	[smem:$0x3FA7] =	sst s0;
	s0 =	simm.s32 @!p2 $0x0  }
0x16: {  	s3 =	sld [smem:$0x3FDB];
	s0 =	simm.s32 @p2 $0x1  }
0x17: {  	s4 =	simm.s32 $0x1BF5;
	[smem:$0x3FA9] =	sst s0  }
0x18: {  	s0 =	sld [smem:$0x3F8C];
	_ =	swait.ge [sflag:s4], $0x0  }
0x19: {  	s7 =	sld [smem:$0x3F8D]  }
0x1a: {  	s8 =	sadd.s32 $0xFFFFE003, lr  }
0x1b: {  	s9 =	sadd.s32 $0xFFFFFEF7, lr;
	s5 =	simm.s32 $0xFFFFFFFF;
	p2 =	slt.u32 s8, $0xFFFFF086  }
0x1c: {  	p1 =	slt.u32 s9, $0xF7A;
	s5 =	simm.s32 @!p2 $0x0  }
0x1d: {  	s5 =	simm.s32 @p1 $0x1;
	p0 =	seq.s32 s7, s2  }
0x1e: {  	s7 =	smul.u32 @!p0 $0xF7A, s2;
	p2 =	seq.s32 @!p0 s5, $0x0  }
0x1f: {  	s9 =	smul.u32 $0xF7A, s1;
	s8 =	simm.s32 @!p0 $0x1BF5;
	p2 =	por !p2, p0  }
0x20: {  	[sflag:s8] =	ssyncset.s32 @!p0 $0xFFFFF086;
	s6 =	sadd.s32 @!p0 s3, s7;
	s7 =	simm.s32 @!p0 $0x108  }
0x21: {  	s3 =	sadd.s32 s3, s9;
	s6 =	sadd.s32 @!p0 $0x88, s6;
	s7 =	simm.s32 @p2 $0x1082  }
0x22: {  	[simem:s7], [sflag:s8] =	dma.local @!p0 [hbm:s6], $0xF7A  }
0x23: {  	s9 =	sor.u32 $0xD0000000, s2;
	s6 =	simm.s32 $0x108;
	_ =	swait.ge @!p0 [sflag:s8], $0x0  }
0x24: {  	s3 =	sadd.s32 $0x88, s3;
	s6 =	simm.s32 @!p1 $0x1082;
	[sflag:s4] =	ssyncset.s32 $0xFFFFF086  }
0x25: {  	[simem:s6], [sflag:s4] =	dma.local [hbm:s3], $0xF7A  }
0x26: {  	[smem:$0x3F8D] =	sst s1;
	(tag) =	ssettag s2;
	_ =	strace s9  }
0x27: {  	s1 =	sld [smem:$0x3F9D]  }
0x28: {  	s2 =	sld [smem:$0x3F9E]  }
0x29: {  	s4 =	sld [smem:$0x3FA0]  }
0x2a: {  	p0 =	seq.s32 s5, $0x0;
	s5 =	sld [smem:$0x3FA1]  }
0x2b: {  	s6 =	sld [smem:$0x3FA2]  }
0x2c: {  	s7 =	sld [smem:$0x3FA3]  }
0x2d: {  	s3 =	simm.s32 $0x108;
	s8 =	sld [smem:$0x3FA4]  }
0x2e: {  	s3 =	simm.s32 @!p0 $0x1082;
	s9 =	sld [smem:$0x3FA5]  }
0x2f: {  	lr =	sadd.s32 s0, s3;
	s0 =	sld [smem:$0x3F9C]  }
0x30: {  	s3 =	sld [smem:$0x3F9F]  }
0x31: {  	[smem:$0x3FA8] =	sst s10  }
0x32: {  	s10 =	sld [smem:$0x3FA6];
	_ =	sdelay $0x3  }
0x33: {  	p0 =	seq.s32 s10, $0x1;
	s10 =	sld [smem:$0x3FA8];
	_ =	sdelay $0x3  }
0x34: {  	[smem:$0x3FA8] =	sst s10  }
0x35: {  	s10 =	sld [smem:$0x3FA7];
	_ =	sdelay $0x3  }
0x36: {  	p1 =	seq.s32 s10, $0x1;
	s10 =	sld [smem:$0x3FA8];
	_ =	sdelay $0x3  }
0x37: {  	[smem:$0x3FA8] =	sst s10  }
0x38: {  	s10 =	sld [smem:$0x3FA9]  }
0x39: {  	_ = 	snop;
	(pc) =	sbr.ind lr, $3  }
0x3a: {  	_ = 	snop  }
0x3b: {  	_ = 	snop  }
0x3c: {  	p2 =	seq.s32 s10, $0x1;
	s10 =	sld [smem:$0x3FA8]  }
0x3d: {  	_ =	shalt  }
0x3e: {  	_ =	shalt  }
0x3f: {  	_ =	shalt  }
0x40: {  	_ =	shalt  }
0x41: {  	_ =	shalt  }
0x42: {  	_ =	shalt  }
0x43: {  	_ =	shalt  }
0x44: {  	_ =	shalt  }
0x45: {  	_ =	shalt  }
0x46: {  	_ =	shalt  }
0x47: {  	_ =	shalt  }
0x48: {  	_ =	shalt  }
0x49: {  	_ =	shalt  }
0x4a: {  	_ =	shalt  }
0x4b: {  	_ =	shalt  }
0x4c: {  	_ =	shalt  }
0x4d: {  	_ =	shalt  }
0x4e: {  	_ =	shalt  }
0x4f: {  	_ =	shalt  }
0x50: {  	_ =	shalt  }
0x51: {  	_ =	shalt  }
0x52: {  	_ =	shalt  }
0x53: {  	_ =	shalt  }
0x54: {  	_ =	shalt  }
0x55: {  	_ =	shalt  }
0x56: {  	_ =	shalt  }
0x57: {  	_ =	shalt  }
0x58: {  	_ =	shalt  }
0x59: {  	_ =	shalt  }
0x5a: {  	_ =	shalt  }
0x5b: {  	_ =	shalt  }
0x5c: {  	_ =	shalt  }
0x5d: {  	_ =	shalt  }
0x5e: {  	_ =	shalt  }
0x5f: {  	_ =	shalt  }
0x60: {  	_ =	shalt  }
0x61: {  	_ =	shalt  }
0x62: {  	_ =	shalt  }
0x63: {  	_ =	shalt  }
0x64: {  	_ =	shalt  }
0x65: {  	_ =	shalt  }
0x66: {  	_ =	shalt  }
0x67: {  	_ =	shalt  }
0x68: {  	_ =	shalt  }
0x69: {  	_ =	shalt  }
0x6a: {  	_ =	shalt  }
0x6b: {  	_ =	shalt  }
0x6c: {  	_ =	shalt  }
0x6d: {  	_ =	shalt  }
0x6e: {  	_ =	shalt  }
0x6f: {  	_ =	shalt  }
0x70: {  	_ =	shalt  }
0x71: {  	_ =	shalt  }
0x72: {  	_ =	shalt  }
0x73: {  	_ =	shalt  }
0x74: {  	_ =	shalt  }
0x75: {  	_ =	shalt  }
0x76: {  	_ =	shalt  }
0x77: {  	_ =	shalt  }
0x78: {  	_ =	shalt  }
0x79: {  	_ =	shalt  }
0x7a: {  	_ =	shalt  }
0x7b: {  	_ =	shalt  }
0x7c: {  	_ =	shalt  }
0x7d: {  	_ =	shalt  }
0x7e: {  	_ =	shalt  }
0x7f: {  	_ =	shalt  }
0x80: {  	_ =	shalt  }
0x81: {  	_ =	shalt  }
0x82: {  	_ =	shalt  }
0x83: {  	_ =	shalt  }
0x84: {  	_ =	shalt  }
0x85: {  	_ =	shalt  }
0x86: {  	_ =	shalt  }
0x87: {  	_ =	shalt  }
.Lfunc_end0:
.L_simem_size_0:
called_computation_lowered:
.L_overlay_start_0:
0x88: {  	s2 =	sld [smem:$0x3FD9]  }
0x89: {  	s3 =	sld [smem:$0x3FFE];
	_ =	sdelay $0x1  }
0x8a: {  	s1 =	srdreg.scid  }
0x8b: {  	s0 =	sand.u32 $0x1, s1  }
0x8c: {  	s14 =	sshll.u32 s0, $0xA;
	s2 =	sadd.s32 s3, s2  }
0x8d: {  	s2 =	sadd.s32 s2, s14  }
0x8e: {  	[smem:$0x3FB4] =	sst s2  }
0x8f: {  	_ = 	snop  }
0x90: {  	s2 =	sld [smem:$0x3FD0];
	_ =	sdelay $0x2  }
0x91: {  	s15 =	simm.s32 $0xA;
	s4 =	simm.s32 $0x10  }
0x92: {  	[smem:s4], [sflag:s15] =	dma.local [hbm:s2], $0x1  }
0x93: {  	_ =	swait.eq [sflag:s15], $0x1  }
0x94: {  	[sflag:s15] =	ssyncset.done $0x0  }
0x95: {  	[sflag:s15] =	ssyncadd.s32 $0xFFFFFFFF  }
0x96: {  	s16 =	sld [smem:$0x10];
	(tm) =	ssettm $0x1  }
0x97: {  	s17 =	sld [smem:$0x3FFB];
	_ =	sdelay $0x3  }
0x98: {  	_ =	strace s17  }
0x99: {  	s3 =	sld [smem:$0x3FFC];
	_ =	sdelay $0x3  }
0x9a: {  	_ =	strace s3  }
0x9b: {  	s3 =	sld [smem:$0x3FFD];
	_ =	sdelay $0x3  }
0x9c: {  	_ =	strace s3  }
0x9d: {  	_ =	strace $0x8FFFFFFF  }
0x9e: {  	s18 =	sld [smem:$0x3FDB];
	_ =	sdelay $0x1  }
0x9f: {  	s19 =	simm.s32 $_scs_section_size  }
0xa0: {  	s5 =	simm.s32 $_size__tile_overlayer_lowered;
	s6 =	simm.s32 $_tile_overlayer_lowered  }
0xa1: {  	s22 =	simm.s32 $0x1BFF;
	s21 =	sshll.u32 s6, $0x1;
	s3 =	sadd.s32 s19, s18  }
0xa2: {  	s7 =	simm.s32 $0x0;
	s20 =	sshll.u32 s5, $0x1;
	s5 =	sadd.s32 s21, s3  }
0xa3: {  	[timem:s7], [sflag:s22] =	dma.local [hbm:s5], s20  }
0xa4: {  	_ =	swait.ge [sflag:s22], s20  }
0xa5: {  	s4 =	ssub.s32 $0x0, s20;
	[sflag:s22] =	ssyncset.done $0x0  }
0xa6: {  	[sflag:s22] =	ssyncadd.s32 s4;
	_ =	sdelay $0x1  }
0xa7: {  	s23 =	simm.s32 $0x1B8B  }
0xa8: {  	_ =	swait.ge [sflag:s23], $0x1  }
0xa9: {  	[sflag:s23] =	ssyncset.done $0x0  }
0xaa: {  	s25 =	simm.s32 $0x1B8E;
	s24 =	sld [smem:$0x3FFE];
	[sflag:s23] =	ssyncadd.s32 $0xFFFFFFFF  }
0xab: {  	s26 =	simm.s32 $execute0_lowered;
	[smem:$0x3FD2] =	sst s25  }
0xac: {  	s5 =	sshll.u32 s26, $0x1;
	_ =	strace $0x80000046;
	[dreg:$0x1] =	wrdreg $0xFFFFFFFF  }
0xad: {  	s28 =	simm.s32 $_size_execute0_lowered;
	s3 =	sadd.s32 s3, s5;
	[dreg:$0x0] =	wrdreg $0x0  }
0xae: {  	s5 =	sshll.u32 s28, $0x1;
	[dreg:$0x2] =	wrdreg s3  }
0xaf: {  	[dreg:$0x3] =	wrdreg s5  }
0xb0: {  	[dreg:$0x4] =	wrdreg $0xC0  }
0xb1: {  	_ =	task [dreg:s7], $0x5FFFF  }
0xb2: {  	[dreg:$0x1] =	wrdreg $0xFFFFFFFF  }
0xb3: {  	[dreg:$0x0] =	wrdreg $0x60  }
0xb4: {  	[dreg:$0x2] =	wrdreg s16  }
0xb5: {  	[dreg:$0x3] =	wrdreg s24  }
0xb6: {  	[dreg:$0x4] =	wrdreg $0x9  }
0xb7: {  	_ =	task.clear_ibuf [dreg:s7], $0x5FFFF;
	_ =	strace $0x90000046  }
0xb8: {  	s29 =	simm.s32 $0x9;
	_ =	strace $0x80000048  }
0xb9: {  	_ =	swait.ge [sflag:s29], $0x1  }
0xba: {  	[sflag:s29] =	ssyncadd.s32 $0xFFFFFFFF  }
0xbb: {  	_ =	strace $0x90000048  }
0xbc: {  	_ =	sfence  }
0xbd: {  	s30 =	sld [smem:$0x0];
	_ =	sdelay $0x2  }
0xbe: {  	s31 =	sshll.u32 s1, $0xD;
	s1 =	sshrl.u32 s1, $0x2  }
0xbf: {  	s3 =	sand.u32 $0x4000, s31;
	s1 =	sadd.s32 s1, s30  }
0xc0: {  	s0 =	sor.u32 s3, s0;
	s1 =	sshll.u32 s1, $0x11  }
0xc1: {  	s0 =	sor.u32 s1, s0  }
0xc2: {  	s0 =	sadd.s32 $0x8F2B, s0  }
0xc3: {  	[sflag:s0] =	ssyncadd.remote.s32 $0x1  }
0xc4: {  	_ =	sfence.sel $0xFFFF  }
0xc5: {  	[dreg:$0x0] =	wrdreg $0xFFFFFFFF;
	(pc) =	sbr.abs _section_cstart, $3  }
0xc6: {  	[dreg:$0x1] =	wrdreg $0xFFFFFFFF  }
0xc7: {  	_ =	task.clear_ibuf [dreg:s7], $0x2FFFF;
	_ =	strace $0x9FFFFFFF  }
0xc8: {  	(tm) =	ssettm $0x7FFFFFFF  }
0xc9: {  	_ =	shalt  }
tec
execute0_lowered:
.L_overlay_start_1:
0x0: {  	(tag) =	ssettag $0x1  }
0x1: {  	s1 =	srdreg.scid  }
0x2: {  	s3 =	rddreg [dreg:$0x0];
	s0 =	stileid.u32  }
0x3: {  	s5 =	rddreg [dreg:$0x1];
	s2 =	simm.s32 $0x0;
	s8 =	simm.s32 $0x80  }
0x4: {  	s26 =	simm.s32 $0x880;
	s9 =	simm.s32 $0x1080;
	s10 =	simm.s32 $0x1880  }
0x5: {  	s11 =	simm.s32 $0x2080;
	s12 =	simm.s32 $0x2880;
	s13 =	simm.s32 $0x3080  }
0x6: {  	s14 =	simm.s32 $0x3880;
	s15 =	simm.s32 $0x4080;
	s16 =	simm.s32 $0x4880  }
0x7: {  	s17 =	simm.s32 $0x5080;
	s18 =	simm.s32 $0x5880;
	s19 =	simm.s32 $0x6080  }
0x8: {  	s20 =	simm.s32 $0x6880;
	s21 =	simm.s32 $0x7080;
	s22 =	simm.s32 $0x7880  }
0x9: {  	s23 =	simm.s32 $0x8080;
	s24 =	simm.s32 $0x8880;
	s25 =	simm.s32 $0x9080  }
0xa: {  	s28 =	simm.s32 $0xA080;
	s29 =	simm.s32 $0xA880;
	s30 =	simm.s32 $0xB080  }
0xb: {  	s31 =	simm.s32 $0xB880;
	s1 =	sand.u32 $0x1, s1;
	[smem:$0x7FF] =	sst s2  }
0xc: {  	s4 =	sshll.u32 s0, $0x4;
	s6 =	sshll.u32 s1, $0x3;
	_ =	strace $0x80000047  }
0xd: {  	s1 =	ssub.s32 $0x2, s1;
	[dreg:$0x5] =	wrdreg s26;
	s4 =	sor.u32 s6, s4  }
0xe: {  	s7 =	sshrl.u32 s1, $0x1;
	s6 =	sadd.s32 s4, s5;
	s4 =	smul.u32 $0x300, s4  }
0xf: {  	s26 =	simm.s32 $0x9880;
	s1 =	ssub.s32 s1, s7;
	s6 =	sadd.s32 $0x3000, s6  }
0x10: {  	v2 =	vlaneseq.u32;
	s7 =	simm.s32 $0x2;
	[dreg:$0x3] =	wrdreg s6;
	s4 =	sadd.s32 s3, s4  }
0x11: {  	vm0 =	vmmov $0xffff;
	v1 =	vshrl.u32 v2, $0x3;
	s3 =	sadd.s32 $0x3200, s5;
	s6 =	smax.u32 s1, $0x1;
	s1 =	simm.s32 $0x1  }
0x12: {  	v0 =	vand.u32 $0x7, v2;
	v2 =	vor.u32 $0x8, v2;
	v1 =	vmul.u32 $0x8, v1;
	[dreg:$0x4] =	wrdreg s4;
	s4 =	sadd.s32 $0x3300, s5;
	s5 =	sadd.s32 $0x3400, s5  }
.LBB2_1:
0x13: {  	s0 =	rddreg [dreg:$0x3]  }
0x14: {  	[tilespmem:s2], [sflag:$0x2] =	stream.linear.gather [hbm4b:s0+s2], $0x40, $0x38;
	[tilespmem:$0xC080] =	vst v63  }
0x15: {  	_ =	swait.ge [sflag:s7], $0x40  }
0x16: {  	[sflag:s7] =	ssyncset.done $0x0  }
0x17: {  	s0 =	rddreg [dreg:$0x4];
	[sflag:s7] =	ssyncadd.s32 $0xFFFFFFC0  }
0x18: {  	[tilespmem:s8], [sflag:$0x2] =	stream.linear.gather [hbm4b:s0+s2], $0xC000, $0x38;
	[tilespmem:$0xC080] =	vst v63  }
0x19: {  	_ =	swait.ge [sflag:s7], $0xC000  }
0x1a: {  	[sflag:s7] =	ssyncset.done $0x0  }
0x1b: {  	[sflag:s7] =	ssyncadd.s32 $0xFFFF4000  }
0x1c: {  	v3 =	vld [tilespmem:$0x0];
	_ =	sdelay $0x4  }
0x1d: {  	v4 =	vshrl.u32 v3, $0x3  }
0x1e: {  	v4 =	vmul.u32 $0x30, v4  }
0x1f: {  	v3 =	vand.u32 $0x7, v3  }
0x20: {  	v3 =	vor.u32 v3, v4  }
0x21: {  	v4 =	vperm.xlane v3, v0;
	_ =	sdelay $0x1  }
0x22: {  	v4 =	vadd.s32 v1, v4;
	_ =	sdelay $0x3  }
0x23: {  	v3 =	vperm.xlane v3, v2  }
0x24: {  	[hbm4b:s3+s2] =	stream.indirect_vreg.scatter [tilespmem:s8], [sflag:$0x1], $0x80, v4, vm0, $0xb8;
	[tilespmem:$0xC080] =	vst v63  }
0x25: {  	s0 =	rddreg [dreg:$0x5];
	v3 =	vadd.s32 v1, v3  }
0x26: {  	[hbm4b:s4+s2] =	stream.indirect_vreg.scatter [tilespmem:s0], [sflag:$0x1], $0x80, v4, vm0, $0xb8;
	[tilespmem:$0xC080] =	vst v63  }
0x27: {  	_ = 	snop  }
0x28: {  	[hbm4b:s5+s2] =	stream.indirect_vreg.scatter [tilespmem:s9], [sflag:$0x1], $0x80, v4, vm0, $0xb8;
	[tilespmem:$0xC080] =	vst v63  }
0x29: {  	_ = 	snop  }
0x2a: {  	[hbm4b:s3+s2] =	stream.indirect_vreg.scatter [tilespmem:s10], [sflag:$0x1], $0x80, v3, vm0, $0xb8;
	[tilespmem:$0xC080] =	vst v63  }
0x2b: {  	_ = 	snop  }
0x2c: {  	[hbm4b:s4+s2] =	stream.indirect_vreg.scatter [tilespmem:s11], [sflag:$0x1], $0x80, v3, vm0, $0xb8;
	[tilespmem:$0xC080] =	vst v63  }
0x2d: {  	_ = 	snop  }
0x2e: {  	[hbm4b:s5+s2] =	stream.indirect_vreg.scatter [tilespmem:s12], [sflag:$0x1], $0x80, v3, vm0, $0xb8;
	[tilespmem:$0xC080] =	vst v63  }
0x2f: {  	v3 =	vld [tilespmem:$0x10];
	_ =	sdelay $0x4  }
0x30: {  	v61 =	vshrl.u32 v3, $0x3  }
0x31: {  	v4 =	vmul.u32 $0x30, v61  }
0x32: {  	v3 =	vand.u32 $0x7, v3  }
0x33: {  	v3 =	vor.u32 v3, v4  }
0x34: {  	v4 =	vperm.xlane v3, v0;
	_ =	sdelay $0x1  }
0x35: {  	v4 =	vadd.s32 v1, v4;
	_ =	sdelay $0x3  }
0x36: {  	v3 =	vperm.xlane v3, v2  }
0x37: {  	[hbm4b:s3+s2] =	stream.indirect_vreg.scatter [tilespmem:s13], [sflag:$0x1], $0x80, v4, vm0, $0xb8;
	[tilespmem:$0xC080] =	vst v63  }
0x38: {  	v3 =	vadd.s32 v1, v3  }
0x39: {  	[hbm4b:s4+s2] =	stream.indirect_vreg.scatter [tilespmem:s14], [sflag:$0x1], $0x80, v4, vm0, $0xb8;
	[tilespmem:$0xC080] =	vst v63  }
0x3a: {  	_ = 	snop  }
0x3b: {  	[hbm4b:s5+s2] =	stream.indirect_vreg.scatter [tilespmem:s15], [sflag:$0x1], $0x80, v4, vm0, $0xb8;
	[tilespmem:$0xC080] =	vst v63  }
0x3c: {  	_ = 	snop  }
0x3d: {  	[hbm4b:s3+s2] =	stream.indirect_vreg.scatter [tilespmem:s16], [sflag:$0x1], $0x80, v3, vm0, $0xb8;
	[tilespmem:$0xC080] =	vst v63  }
0x3e: {  	_ = 	snop  }
0x3f: {  	[hbm4b:s4+s2] =	stream.indirect_vreg.scatter [tilespmem:s17], [sflag:$0x1], $0x80, v3, vm0, $0xb8;
	[tilespmem:$0xC080] =	vst v63  }
0x40: {  	_ = 	snop  }
0x41: {  	[hbm4b:s5+s2] =	stream.indirect_vreg.scatter [tilespmem:s18], [sflag:$0x1], $0x80, v3, vm0, $0xb8;
	[tilespmem:$0xC080] =	vst v63  }
0x42: {  	v3 =	vld [tilespmem:$0x20];
	_ =	sdelay $0x4  }
0x43: {  	v62 =	vshrl.u32 v3, $0x3  }
0x44: {  	v4 =	vmul.u32 $0x30, v62  }
0x45: {  	v3 =	vand.u32 $0x7, v3  }
0x46: {  	v3 =	vor.u32 v3, v4  }
0x47: {  	v4 =	vperm.xlane v3, v0;
	_ =	sdelay $0x1  }
0x48: {  	v4 =	vadd.s32 v1, v4;
	_ =	sdelay $0x3  }
0x49: {  	v3 =	vperm.xlane v3, v2  }
0x4a: {  	[hbm4b:s3+s2] =	stream.indirect_vreg.scatter [tilespmem:s19], [sflag:$0x1], $0x80, v4, vm0, $0xb8;
	[tilespmem:$0xC080] =	vst v63  }
0x4b: {  	v3 =	vadd.s32 v1, v3  }
0x4c: {  	[hbm4b:s4+s2] =	stream.indirect_vreg.scatter [tilespmem:s20], [sflag:$0x1], $0x80, v4, vm0, $0xb8;
	[tilespmem:$0xC080] =	vst v63  }
0x4d: {  	_ = 	snop  }
0x4e: {  	[hbm4b:s5+s2] =	stream.indirect_vreg.scatter [tilespmem:s21], [sflag:$0x1], $0x80, v4, vm0, $0xb8;
	[tilespmem:$0xC080] =	vst v63  }
0x4f: {  	_ = 	snop  }
0x50: {  	[hbm4b:s3+s2] =	stream.indirect_vreg.scatter [tilespmem:s22], [sflag:$0x1], $0x80, v3, vm0, $0xb8;
	[tilespmem:$0xC080] =	vst v63  }
0x51: {  	_ = 	snop  }
0x52: {  	[hbm4b:s4+s2] =	stream.indirect_vreg.scatter [tilespmem:s23], [sflag:$0x1], $0x80, v3, vm0, $0xb8;
	[tilespmem:$0xC080] =	vst v63  }
0x53: {  	_ = 	snop  }
0x54: {  	[hbm4b:s5+s2] =	stream.indirect_vreg.scatter [tilespmem:s24], [sflag:$0x1], $0x80, v3, vm0, $0xb8;
	[tilespmem:$0xC080] =	vst v63  }
0x55: {  	v3 =	vld [tilespmem:$0x30];
	_ =	sdelay $0x4  }
0x56: {  	v63 =	vshrl.u32 v3, $0x3  }
0x57: {  	v4 =	vmul.u32 $0x30, v63  }
0x58: {  	v3 =	vand.u32 $0x7, v3  }
0x59: {  	v3 =	vor.u32 v3, v4  }
0x5a: {  	v4 =	vperm.xlane v3, v0;
	_ =	sdelay $0x1  }
0x5b: {  	v4 =	vadd.s32 v1, v4;
	_ =	sdelay $0x3  }
0x5c: {  	v3 =	vperm.xlane v3, v2  }
0x5d: {  	[hbm4b:s3+s2] =	stream.indirect_vreg.scatter [tilespmem:s25], [sflag:$0x1], $0x80, v4, vm0, $0xb8;
	[tilespmem:$0xC080] =	vst v63  }
0x5e: {  	v3 =	vadd.s32 v1, v3  }
0x5f: {  	[hbm4b:s4+s2] =	stream.indirect_vreg.scatter [tilespmem:s26], [sflag:$0x1], $0x80, v4, vm0, $0xb8;
	[tilespmem:$0xC080] =	vst v63  }
0x60: {  	_ = 	snop  }
0x61: {  	[hbm4b:s5+s2] =	stream.indirect_vreg.scatter [tilespmem:s28], [sflag:$0x1], $0x80, v4, vm0, $0xb8;
	[tilespmem:$0xC080] =	vst v63  }
0x62: {  	_ = 	snop  }
0x63: {  	[hbm4b:s3+s2] =	stream.indirect_vreg.scatter [tilespmem:s29], [sflag:$0x1], $0x80, v3, vm0, $0xb8;
	[tilespmem:$0xC080] =	vst v63  }
0x64: {  	p0 =	sne.s32 s6, $0x1  }
0x65: {  	[hbm4b:s4+s2] =	stream.indirect_vreg.scatter [tilespmem:s30], [sflag:$0x1], $0x80, v3, vm0, $0xb8;
	[tilespmem:$0xC080] =	vst v63  }
.Ltmp0:
0x66: {  	_ = 	snop;
	(pc) =	sbr.rel @p0 .LBB2_1-.Ltmp0, $4  }
0x67: {  	[hbm4b:s5+s2] =	stream.indirect_vreg.scatter [tilespmem:s31], [sflag:$0x1], $0x80, v3, vm0, $0xb8;
	[tilespmem:$0xC080] =	vst v63  }
0x68: {  	_ =	swait.ge [sflag:s1], $0xC000  }
0x69: {  	[sflag:s1] =	ssyncset.done $0x0  }
0x6a: {  	s6 =	sadd.s32 $0xFFFFFFFF, s6;
	[sflag:s1] =	ssyncadd.s32 $0xFFFF4000  }
0x6b: {  	_ =	sfence.sel $0x180000  }
0x6c: {  	[bflag:$0x0] =	sbarrier.arrive $0xFFFF  }
0x6d: {  	_ =	strace $0x90000047  }
0x6e: {  	s0 =	stileid.u32;
	[bflag:$0x2] =	sbarrier.arrive $0xFFFF  }
0x6f: {  	p0 =	sne.s32 s0, $0x0;
	s0 =	rddreg [dreg:$0x2]  }
0x70: {  	s0 =	sadd.s32 @!p0 $0x100000, s0  }
0x71: {  	[sflag:s0] =	ssyncadd.tile.s32 @!p0 $0x1;
	_ =	shalt  }
.Lfunc_end2:
_tile_overlayer_lowered:
.L_overlay_start_2:
0x72: {  	(tag) =	ssettag $0x2  }
0x73: {  	s0 =	rddreg [dreg:$0x0];
	s2 =	stileid.u32  }
0x74: {  	s1 =	rddreg [dreg:$0x1];
	p0 =	sne.s32 s2, $0x0  }
0x75: {  	s3 =	rddreg [dreg:$0x2];
	[bflag:$0x3] =	sbarrier.arrive $0xFFFF;
	s2 =	simm.s32 @!p0 $0x1C02  }
0x76: {  	[timem:s3], [sflag:s2] =	dma.local @!p0 [hbm:s0], s1  }
0x77: {  	s0 =	simm.s32 @!p0 $0x2  }
0x78: {  	_ =	swait.ge @!p0 [sflag:s0], s1  }
0x79: {  	s1 =	ssub.s32 @!p0 $0x0, s1;
	[sflag:s0] =	ssyncset.done @!p0 $0x0  }
0x7a: {  	[sflag:s0] =	ssyncadd.s32 @!p0 s1  }
0x7b: {  	[bflag:$0x3] =	sbarrier.arrive $0xFFFF  }
0x7c: {  	_ =	shalt  }

</sc_bundles>
